<compile_context>
chip_gen: v7x
topology: tpu7x:2x2x1
jax: 0.10.2.dev20260603
libtpu: 0.0.44.dev20260713+nightly
codegen_flags: <defaults>
</compile_context>

<pallas_src>
import functools

import jax
import jax.numpy as jnp
from jax import lax
from jax.experimental import pallas as pl
from jax.experimental.pallas import tpu as pltpu
from jax.experimental.pallas import tpu_sc as plsc

N = 10000
E = 160000
D = 256
DH = D // 2
EPS = 1e-5

NCORE = 2
NSUB = 16
LANES = 16
CW = 128

EDGES_PER_SUB = E // NSUB
B2 = 80
GCHUNK = 2000
GNWB = 10
G_ROWS_WB = N // GNWB
ZCH = 200

EDGES_PER_W = E // (NCORE * NSUB)
B1 = 40
NB1 = EDGES_PER_W // B1

NODE_TILE = 1000
EDGE_TILE = 2000

@functools.lru_cache(maxsize=1)
def _sc_mesh():
    return plsc.VectorSubcoreMesh(core_axis_name="c", subcore_axis_name="s",
                                  num_cores=NCORE, num_subcores=NSUB)



def _node_mm_body(x_ref, w1_ref, b1_ref, w2_ref, b2_ref, w3_ref, b3_ref,
                  w4_ref, b4_ref, x1_ref, x2h_ref, x3_ref, x4_ref):
    xt = x_ref[...]
    x1_ref[...] = jnp.dot(xt, w1_ref[...], preferred_element_type=jnp.float32) + b1_ref[...]
    x2 = jnp.dot(xt, w2_ref[...], preferred_element_type=jnp.float32) + b2_ref[...]
    x2h_ref[0] = x2[:, :DH]
    x2h_ref[1] = x2[:, DH:]
    x3_ref[...] = jnp.dot(xt, w3_ref[...], preferred_element_type=jnp.float32) + b3_ref[...]
    x4_ref[...] = jnp.dot(xt, w4_ref[...], preferred_element_type=jnp.float32) + b4_ref[...]


def _node_mm(x, w1t, b1, w2t, b2, w3t, b3, w4t, b4):
    nw = pl.BlockSpec((D, D), lambda i: (0, 0))
    nb = pl.BlockSpec((1, D), lambda i: (0, 0))
    return pl.pallas_call(
        _node_mm_body,
        grid=(N // NODE_TILE,),
        in_specs=[pl.BlockSpec((NODE_TILE, D), lambda i: (i, 0)),
                  nw, nb, nw, nb, nw, nb, nw, nb],
        out_specs=[pl.BlockSpec((NODE_TILE, D), lambda i: (i, 0)),
                   pl.BlockSpec((NCORE, NODE_TILE, DH), lambda i: (0, i, 0)),
                   pl.BlockSpec((NODE_TILE, D), lambda i: (i, 0)),
                   pl.BlockSpec((NODE_TILE, D), lambda i: (i, 0))],
        out_shape=[jax.ShapeDtypeStruct((N, D), jnp.float32),
                   jax.ShapeDtypeStruct((NCORE, N, DH), jnp.float32),
                   jax.ShapeDtypeStruct((N, D), jnp.float32),
                   jax.ShapeDtypeStruct((N, D), jnp.float32)],
    )(x, w1t, b1, w2t, b2, w3t, b3, w4t, b4)


def _edge_mm_body(w0_ref, we_ref, be_ref, w1_ref, sig_ref):
    w0t = w0_ref[...]
    w1_ref[...] = jnp.dot(w0t, we_ref[...], preferred_element_type=jnp.float32) + be_ref[...]
    sg = jax.nn.sigmoid(w0t)
    sig_ref[0] = sg[:, :DH]
    sig_ref[1] = sg[:, DH:]


def _edge_mm(edge_attr, wet, be):
    return pl.pallas_call(
        _edge_mm_body,
        grid=(E // EDGE_TILE,),
        in_specs=[pl.BlockSpec((EDGE_TILE, D), lambda i: (i, 0)),
                  pl.BlockSpec((D, D), lambda i: (0, 0)),
                  pl.BlockSpec((1, D), lambda i: (0, 0))],
        out_specs=[pl.BlockSpec((EDGE_TILE, D), lambda i: (i, 0)),
                   pl.BlockSpec((NCORE, EDGE_TILE, DH), lambda i: (0, i, 0))],
        out_shape=[jax.ShapeDtypeStruct((E, D), jnp.float32),
                   jax.ShapeDtypeStruct((NCORE, E, DH), jnp.float32)],
    )(edge_attr, wet, be)


def _t_stats_body(a_ref, b_ref, t_ref, ssum_ref, ssq_ref):
    i = pl.program_id(0)
    t = a_ref[...] + b_ref[...]
    t_ref[...] = t
    ps = jnp.sum(t, axis=0, keepdims=True)
    pq = jnp.sum(t * t, axis=0, keepdims=True)

    @pl.when(i == 0)
    def _():
        ssum_ref[...] = ps
        ssq_ref[...] = pq

    @pl.when(i > 0)
    def _():
        ssum_ref[...] += ps
        ssq_ref[...] += pq


def _t_stats(a, b, rows, tile):
    return pl.pallas_call(
        _t_stats_body,
        grid=(rows // tile,),
        in_specs=[pl.BlockSpec((tile, D), lambda i: (i, 0)),
                  pl.BlockSpec((tile, D), lambda i: (i, 0))],
        out_specs=[pl.BlockSpec((tile, D), lambda i: (i, 0)),
                   pl.BlockSpec((1, D), lambda i: (0, 0)),
                   pl.BlockSpec((1, D), lambda i: (0, 0))],
        out_shape=[jax.ShapeDtypeStruct((rows, D), jnp.float32),
                   jax.ShapeDtypeStruct((1, D), jnp.float32),
                   jax.ShapeDtypeStruct((1, D), jnp.float32)],
    )(a, b)


def _bn_silu_res_body(t_ref, res_ref, ssum_ref, ssq_ref, g_ref, b_ref,
                      out_ref, *, rows):
    mean = ssum_ref[...] / rows
    var = ssq_ref[...] / rows - mean * mean
    inv = g_ref[...] / jnp.sqrt(var + EPS)
    bn = (t_ref[...] - mean) * inv + b_ref[...]
    out_ref[...] = res_ref[...] + bn * jax.nn.sigmoid(bn)


def _bn_silu_res(t, res, ssum, ssq, gamma, beta, rows, tile):
    return pl.pallas_call(
        functools.partial(_bn_silu_res_body, rows=float(rows)),
        grid=(rows // tile,),
        in_specs=[pl.BlockSpec((tile, D), lambda i: (i, 0)),
                  pl.BlockSpec((tile, D), lambda i: (i, 0)),
                  pl.BlockSpec((1, D), lambda i: (0, 0)),
                  pl.BlockSpec((1, D), lambda i: (0, 0)),
                  pl.BlockSpec((1, D), lambda i: (0, 0)),
                  pl.BlockSpec((1, D), lambda i: (0, 0))],
        out_specs=pl.BlockSpec((tile, D), lambda i: (i, 0)),
        out_shape=jax.ShapeDtypeStruct((rows, D), jnp.float32),
    )(t, res, ssum, ssq, gamma, beta)


def _cnt_inv_body(cnt_ref, inv_ref):
    ones = jnp.ones((CW, 1), jnp.float32)
    cw = cnt_ref[0] + cnt_ref[1]
    cnt_col = lax.dot_general(cw, ones, (((1,), (0,)), ((), ())),
                              preferred_element_type=jnp.float32)
    inv_ref[...] = 1.0 / jnp.maximum(cnt_col, 1.0)


def _cnt_inv(cnt):
    return pl.pallas_call(
        _cnt_inv_body,
        out_shape=jax.ShapeDtypeStruct((N, 1), jnp.float32),
    )(cnt)


def _tv_stats_body(x1_ref, msg_ref, inv_ref, tv_ref, ssum_ref, ssq_ref):
    i = pl.program_id(0)
    msgcat = jnp.concatenate([msg_ref[0], msg_ref[1]], axis=1)
    agg = msgcat * inv_ref[...]
    tv = x1_ref[...] + agg
    tv_ref[...] = tv
    ps = jnp.sum(tv, axis=0, keepdims=True)
    pq = jnp.sum(tv * tv, axis=0, keepdims=True)

    @pl.when(i == 0)
    def _():
        ssum_ref[...] = ps
        ssq_ref[...] = pq

    @pl.when(i > 0)
    def _():
        ssum_ref[...] += ps
        ssq_ref[...] += pq


def _tv_stats(x1, msg, inv):
    return pl.pallas_call(
        _tv_stats_body,
        grid=(N // NODE_TILE,),
        in_specs=[pl.BlockSpec((NODE_TILE, D), lambda i: (i, 0)),
                  pl.BlockSpec((NCORE, NODE_TILE, DH), lambda i: (0, i, 0)),
                  pl.BlockSpec((NODE_TILE, 1), lambda i: (i, 0))],
        out_specs=[pl.BlockSpec((NODE_TILE, D), lambda i: (i, 0)),
                   pl.BlockSpec((1, D), lambda i: (0, 0)),
                   pl.BlockSpec((1, D), lambda i: (0, 0))],
        out_shape=[jax.ShapeDtypeStruct((N, D), jnp.float32),
                   jax.ShapeDtypeStruct((1, D), jnp.float32),
                   jax.ShapeDtypeStruct((1, D), jnp.float32)],
    )(x1, msg, inv)



def _sc_gsum_body(src_hbm, dst_hbm, x3_hbm, x4_hbm, out_hbm,
                  si_v, di_v, g3_v, g4_v, sem3, sem4):
    c = lax.axis_index("c")
    s = lax.axis_index("s")
    wid = s * NCORE + c
    base0 = wid * EDGES_PER_W

    pltpu.sync_copy(src_hbm.at[pl.ds(base0, EDGES_PER_W)], si_v)
    pltpu.sync_copy(dst_hbm.at[pl.ds(base0, EDGES_PER_W)], di_v)

    def batch_body(b, carry):
        off = b * B1
        cp3 = pltpu.async_copy(x3_hbm.at[si_v.at[pl.ds(off, B1)]], g3_v, sem3)
        cp4 = pltpu.async_copy(x4_hbm.at[di_v.at[pl.ds(off, B1)]], g4_v, sem4)
        cp3.wait()
        cp4.wait()

        def row_body(r, carry2):
            def col_body(k, carry3):
                sl = pl.ds(k * LANES, LANES)
                g3_v[r, sl] = g3_v[r, sl] + g4_v[r, sl]
                return carry3
            return lax.fori_loop(0, D // LANES, col_body, carry2)

        lax.fori_loop(0, B1, row_body, 0)
        pltpu.sync_copy(g3_v, out_hbm.at[pl.ds(base0 + off, B1)])
        return carry

    lax.fori_loop(0, NB1, batch_body, 0)


def _sc_gsum(src, dst, x3, x4):
    return pl.kernel(
        _sc_gsum_body,
        out_type=jax.ShapeDtypeStruct((E, D), jnp.float32),
        mesh=_sc_mesh(),
        scratch_types=[pltpu.VMEM((EDGES_PER_W,), jnp.int32),
                       pltpu.VMEM((EDGES_PER_W,), jnp.int32),
                       pltpu.VMEM((B1, D), jnp.float32),
                       pltpu.VMEM((B1, D), jnp.float32),
                       pltpu.SemaphoreType.DMA,
                       pltpu.SemaphoreType.DMA],
    )(src, dst, x3, x4)


def _sc_gate_body(src_hbm, dst_hbm, x2h_hbm, sig_hbm, msg_hbm,
                  si_v, di_v, rows_v, sig_v, zero_v, acc_sh, sem):
    c = lax.axis_index("c")
    s = lax.axis_index("s")
    z16 = jnp.zeros((LANES,), jnp.float32)

    @pl.when(s < GNWB)
    def _():
        def zrow(r, carry):
            def zcol(k, carry2):
                zero_v[r, pl.ds(k * LANES, LANES)] = z16
                return carry2
            return lax.fori_loop(0, DH // LANES, zcol, carry)

        lax.fori_loop(0, ZCH, zrow, 0)

        def zacc(j, carry):
            pltpu.sync_copy(zero_v,
                            acc_sh.at[pl.ds(s * G_ROWS_WB + j * ZCH, ZCH)])
            return carry

        lax.fori_loop(0, G_ROWS_WB // ZCH, zacc, 0)

    plsc.subcore_barrier()

    base0 = s * EDGES_PER_SUB

    def chunk_body(ch, carry):
        cbase = base0 + ch * GCHUNK
        pltpu.sync_copy(src_hbm.at[pl.ds(cbase, GCHUNK)], si_v)
        pltpu.sync_copy(dst_hbm.at[pl.ds(cbase, GCHUNK)], di_v)

        def idx_body(k, carry2):
            sl = pl.ds(k * LANES, LANES)
            di_v[sl] = di_v[sl] + c * N
            return carry2

        lax.fori_loop(0, GCHUNK // LANES, idx_body, 0)

        def batch_body(b, carry2):
            off = b * B2
            pltpu.async_copy(x2h_hbm.at[di_v.at[pl.ds(off, B2)]],
                             rows_v, sem).wait()
            pltpu.sync_copy(sig_hbm.at[pl.ds(c * E + cbase + off, B2)], sig_v)

            def row_body(r, carry3):
                def col_body(k, carry4):
                    sl = pl.ds(k * LANES, LANES)
                    rows_v[r, sl] = rows_v[r, sl] * sig_v[r, sl]
                    return carry4
                return lax.fori_loop(0, DH // LANES, col_body, carry3)

            lax.fori_loop(0, B2, row_body, 0)

            pltpu.sync_copy(rows_v, acc_sh.at[si_v.at[pl.ds(off, B2)]],
                            add=True)
            return carry2

        lax.fori_loop(0, GCHUNK // B2, batch_body, 0)
        return carry

    lax.fori_loop(0, EDGES_PER_SUB // GCHUNK, chunk_body, 0)

    plsc.subcore_barrier()

    @pl.when(s < GNWB)
    def _():
        pltpu.sync_copy(
            acc_sh.at[pl.ds(s * G_ROWS_WB, G_ROWS_WB)],
            msg_hbm.at[pl.ds(c * N + s * G_ROWS_WB, G_ROWS_WB)])


CNT_NWB = 10
CNT_ROWS_WB = N // CNT_NWB
CNT_EPS_SUB = E // (NCORE * NSUB)
CNT_B = 40
CNT_NB = CNT_EPS_SUB // CNT_B


def _sc_cnt_body(src_hbm, cnt_hbm, si_v, ones_v, zc_v, cnt_sh):
    c = lax.axis_index("c")
    s = lax.axis_index("s")
    z16 = jnp.zeros((LANES,), jnp.float32)
    six16 = jnp.full((LANES,), 1.0 / CW, jnp.float32)

    def orow(r, carry):
        def ocol(k, carry2):
            ones_v[r, pl.ds(k * LANES, LANES)] = six16
            return carry2
        return lax.fori_loop(0, CW // LANES, ocol, carry)

    lax.fori_loop(0, CNT_B, orow, 0)

    def zrow(r, carry):
        def zcol(k, carry2):
            zc_v[r, pl.ds(k * LANES, LANES)] = z16
            return carry2
        return lax.fori_loop(0, CW // LANES, zcol, carry)

    lax.fori_loop(0, ZCH, zrow, 0)

    @pl.when(s < CNT_NWB)
    def _():
        def zch(j, carry):
            pltpu.sync_copy(
                zc_v, cnt_sh.at[pl.ds(s * CNT_ROWS_WB + j * ZCH, ZCH)])
            return carry
        lax.fori_loop(0, CNT_ROWS_WB // ZCH, zch, 0)

    plsc.subcore_barrier()

    base0 = c * (E // NCORE) + s * CNT_EPS_SUB

    def batch(b, carry):
        base = base0 + b * CNT_B
        pltpu.sync_copy(src_hbm.at[pl.ds(base, CNT_B)], si_v)
        pltpu.sync_copy(ones_v, cnt_sh.at[si_v], add=True)
        return carry

    lax.fori_loop(0, CNT_NB, batch, 0)

    plsc.subcore_barrier()

    @pl.when(s < CNT_NWB)
    def _():
        pltpu.sync_copy(cnt_sh.at[pl.ds(s * CNT_ROWS_WB, CNT_ROWS_WB)],
                        cnt_hbm.at[pl.ds(c * N + s * CNT_ROWS_WB, CNT_ROWS_WB)])


def _sc_cnt(src):
    return pl.kernel(
        _sc_cnt_body,
        out_type=jax.ShapeDtypeStruct((NCORE * N, CW), jnp.float32),
        mesh=_sc_mesh(),
        scratch_types=[pltpu.VMEM((CNT_B,), jnp.int32),
                       pltpu.VMEM((CNT_B, CW), jnp.float32),
                       pltpu.VMEM((ZCH, CW), jnp.float32),
                       pltpu.VMEM_SHARED((N, CW), jnp.float32)],
    )(src)


def _sc_gate_scatter(src, dst, x2h, sig):
    return pl.kernel(
        _sc_gate_body,
        out_type=jax.ShapeDtypeStruct((NCORE * N, DH), jnp.float32),
        mesh=_sc_mesh(),
        scratch_types=[pltpu.VMEM((GCHUNK,), jnp.int32),
                       pltpu.VMEM((GCHUNK,), jnp.int32),
                       pltpu.VMEM((B2, DH), jnp.float32),
                       pltpu.VMEM((B2, DH), jnp.float32),
                       pltpu.VMEM((ZCH, DH), jnp.float32),
                       pltpu.VMEM_SHARED((N, DH), jnp.float32),
                       pltpu.SemaphoreType.DMA],
    )(src, dst, x2h, sig)



def kernel(x, edge_index, edge_attr, W1, b1, W2, b2, W3, b3, W4, b4,
           We, be, gamma_v, beta_v, gamma_e, beta_e):
    r = lambda v: v.reshape(1, D)
    src = edge_index[0]
    dst = edge_index[1]
    cnt = _sc_cnt(src).reshape(NCORE, N, CW)
    x1, x2h, x3, x4 = _node_mm(x, W1.T, r(b1), W2.T, r(b2),
                               W3.T, r(b3), W4.T, r(b4))
    w1e, sig = _edge_mm(edge_attr, We.T, r(be))
    gsum = _sc_gsum(src, dst, x3, x4)
    t, esum, esq = _t_stats(w1e, gsum, E, EDGE_TILE)
    w_out = _bn_silu_res(t, edge_attr, esum, esq, r(gamma_e), r(beta_e),
                         E, EDGE_TILE)
    msg = _sc_gate_scatter(src, dst, x2h.reshape(NCORE * N, DH),
                           sig.reshape(NCORE * E, DH)).reshape(NCORE, N, DH)
    tv, nsum, nsq = _tv_stats(x1, msg, _cnt_inv(cnt))
    x_out = _bn_silu_res(tv, x, nsum, nsq, r(gamma_v), r(beta_v),
                         N, NODE_TILE)
    return (x_out, w_out)

# --- scband reference (transcript-rebuilt; emitter-appended) ---
"""Pipeline reference for scband-gnnlayer-7928509628585 (READ-ONLY COPY).

The authoritative reference and input builder live on the scoring server;
editing this copy changes nothing except your own understanding.
"""

import jax, jax.numpy as jnp
import numpy as np

N = 10000
E = 160000
D = 256
EPS = 1e-5


def _batchnorm(v, gamma, beta):
    mean = jnp.mean(v, axis=0)
    var = jnp.var(v, axis=0)
    return gamma * (v - mean) / jnp.sqrt(var + EPS) + beta


def setup_inputs(seed: int = 0):
    key = jax.random.key(seed)
    ks = jax.random.split(key, 16)
    s = 1.0 / np.sqrt(D)
    inp = {}
    inp["x"] = jax.random.normal(ks[0], (N, D), dtype=jnp.float32)
    inp["edge_index"] = jax.random.randint(ks[1], (2, E), 0, N, dtype=jnp.int32)
    inp["edge_attr"] = jax.random.normal(ks[2], (E, D), dtype=jnp.float32)
    # Linear layer params (torch nn.Linear: y = x @ W.T + b)
    inp["W1"] = jax.random.uniform(ks[3], (D, D), jnp.float32, -s, s)
    inp["b1"] = jax.random.uniform(ks[4], (D,), jnp.float32, -s, s)
    inp["W2"] = jax.random.uniform(ks[5], (D, D), jnp.float32, -s, s)
    inp["b2"] = jax.random.uniform(ks[6], (D,), jnp.float32, -s, s)
    inp["W3"] = jax.random.uniform(ks[7], (D, D), jnp.float32, -s, s)
    inp["b3"] = jax.random.uniform(ks[8], (D,), jnp.float32, -s, s)
    inp["W4"] = jax.random.uniform(ks[9], (D, D), jnp.float32, -s, s)
    inp["b4"] = jax.random.uniform(ks[10], (D,), jnp.float32, -s, s)
    inp["We"] = jax.random.uniform(ks[11], (D, D), jnp.float32, -s, s)
    inp["be"] = jax.random.uniform(ks[12], (D,), jnp.float32, -s, s)
    # BatchNorm affine params
    inp["gamma_v"] = jnp.ones((D,), dtype=jnp.float32)
    inp["beta_v"] = jnp.zeros((D,), dtype=jnp.float32)
    inp["gamma_e"] = jnp.ones((D,), dtype=jnp.float32)
    inp["beta_e"] = jnp.zeros((D,), dtype=jnp.float32)
    return inp


def reference(x, edge_index, edge_attr, W1, b1, W2, b2, W3, b3, W4, b4, We, be, gamma_v, beta_v, gamma_e, beta_e):
    x0, w0 = x, edge_attr
    src = edge_index[0]
    dst = edge_index[1]
    x1 = x0 @ W1.T + b1
    x2 = x0 @ W2.T + b2
    x3 = x0 @ W3.T + b3
    x4 = x0 @ W4.T + b4
    # gated messages: sigmoid(edge_attr) * x2[dst]
    edge_weighted = jax.nn.sigmoid(w0) * jnp.take(x2, dst, axis=0)
    # scatter_mean over destination index edge_index[0], dim_size=N
    msg_sum = jax.ops.segment_sum(edge_weighted, src, num_segments=N)
    cnt = jax.ops.segment_sum(jnp.ones((E, 1), dtype=jnp.float32), src, num_segments=N)
    aggregated = msg_sum / jnp.maximum(cnt, 1.0)
    x_out = x0 + jax.nn.silu(_batchnorm(x1 + aggregated, gamma_v, beta_v))
    w1 = w0 @ We.T + be
    w_out = w0 + jax.nn.silu(_batchnorm(w1 + jnp.take(x3, src, axis=0) + jnp.take(x4, dst, axis=0), gamma_e, beta_e))
    return (x_out, w_out)

if __name__ == "__main__":
    import jax
    _d = setup_inputs()
    print(jax.jit(kernel)(*tuple(_d.values())))

</pallas_src>

<mosaic_0001>
#map = affine_map<(d0, d1) -> (0)>
#map1 = affine_map<(d0, d1) -> (0, 0)>
module attributes {stable_mosaic.version = 14 : i64} {
  func.func @_sc_gate_body(%arg0: i32, %arg1: i32, %arg2: memref<160000xi32, #tpu.memory_space<hbm>>, %arg3: memref<160000xi32, #tpu.memory_space<hbm>>, %arg4: memref<20000x128xf32, #tpu.memory_space<hbm>>, %arg5: memref<320000x128xf32, #tpu.memory_space<hbm>>, %arg6: memref<20000x128xf32, #tpu.memory_space<hbm>>, %arg7: memref<2000xi32, #tpu.memory_space<vmem>>, %arg8: memref<2000xi32, #tpu.memory_space<vmem>>, %arg9: memref<80x128xf32, #tpu.memory_space<vmem>>, %arg10: memref<80x128xf32, #tpu.memory_space<vmem>>, %arg11: memref<200x128xf32, #tpu.memory_space<vmem>>, %arg12: memref<10000x128xf32, #tpu.memory_space<vmem_shared>>, %arg13: memref<!tpu.dma_semaphore, #tpu.memory_space<semaphore_mem>>) attributes {dimension_semantics = [#tpu.dimension_semantics<core_parallel>, #tpu.dimension_semantics<subcore_parallel>], iteration_bounds = array<i64: 2, 16>, scalar_prefetch = 0 : i64, scratch_operands = 7 : i64, tpu.core_type = #tpu.core_type<sc_vector_subcore>, window_params = [{transform_indices = #map}, {transform_indices = #map}, {transform_indices = #map1}, {transform_indices = #map1}, {transform_indices = #map1}]} {
    %broadcast_in_dim3A = arith.constant 0.000000e+00 : f32
    %broadcast_in_dim3A_0 = vector.broadcast %broadcast_in_dim3A : f32 to vector<16xf32>
    %lt3A = arith.constant 10 : i32
    %lt3A_1 = arith.cmpi slt, %arg1, %lt3A : i32
    %convert_element_type3A = arith.extui %lt3A_1 : i1 to i32
    %cond3A = arith.constant 0 : i32
    %cond3A_2 = arith.cmpi ne, %convert_element_type3A, %cond3A : i32
    scf.if %cond3A_2 {
      %scan3A_15 = arith.constant 0 : i32
      %scan3A_16 = arith.constant 0 : i32
      %scan3A_17 = arith.constant 200 : i32
      %scan3A_18 = arith.addi %scan3A_16, %scan3A_17 : i32
      %scan3A_19 = arith.constant 1 : i32
      scf.for %scan3A_27 = %scan3A_16 to %scan3A_18 step %scan3A_19  : i32 {
        %scan3A_28 = arith.constant 0 : i32
        %scan3A_29 = arith.constant 8 : i32
        %scan3A_30 = arith.addi %scan3A_28, %scan3A_29 : i32
        %scan3A_31 = arith.constant 1 : i32
        scf.for %scan3A_33 = %scan3A_28 to %scan3A_30 step %scan3A_31  : i32 {
          %mul3A_34 = arith.constant 16 : i32
          %mul3A_35 = arith.muli %scan3A_33, %mul3A_34 : i32
          %swap3A = arith.index_cast %scan3A_27 : i32 to index
          %swap3A_36 = arith.index_cast %mul3A_35 : i32 to index
          %swap3A_37 = tpu.vector_load %arg11[%swap3A, %swap3A_36] {strides = array<i32>} : memref<200x128xf32, #tpu.memory_space<vmem>>, vector<1x16xf32>,
          %swap3A_38 = vector.shape_cast %swap3A_37 : vector<1x16xf32> to vector<16xf32>
          %swap3A_39 = vector.shape_cast %broadcast_in_dim3A_0 : vector<16xf32> to vector<1x16xf32>
          tpu.vector_store %arg11[%swap3A, %swap3A_36], %swap3A_39 {strides = array<i32>} : memref<200x128xf32, #tpu.memory_space<vmem>>, vector<1x16xf32>,
        }
        %scan3A_32 = arith.constant 8 : i32
      }
      %scan3A_20 = arith.constant 200 : i32
      %scan3A_21 = arith.constant 0 : i32
      %scan3A_22 = arith.constant 0 : i32
      %scan3A_23 = arith.constant 5 : i32
      %scan3A_24 = arith.addi %scan3A_22, %scan3A_23 : i32
      %scan3A_25 = arith.constant 1 : i32
      scf.for %scan3A_27 = %scan3A_22 to %scan3A_24 step %scan3A_25  : i32 {
        %mul3A_28 = arith.constant 1000 : i32
        %mul3A_29 = arith.muli %arg1, %mul3A_28 : i32
        %mul3A_30 = arith.constant 200 : i32
        %mul3A_31 = arith.muli %scan3A_27, %mul3A_30 : i32
        %add3A = arith.addi %mul3A_29, %mul3A_31 : i32
        "tpu.region"() ({
          %run_scoped3A = tpu.sem_alloc : memref<!tpu.dma_semaphore, #tpu.memory_space<semaphore_mem>>
          %dma_start3A = arith.constant 0 : i32
          %dma_start3A_32 = tpu.memref_slice %arg12[%add3A, %dma_start3A] : memref<10000x128xf32, #tpu.memory_space<vmem_shared>> -> memref<200x128xf32, #tpu.memory_space<vmem_shared>>
          %dma_start3A_33 = arith.constant 0 : i32
          %dma_start3A_34 = tpu.memref_slice %arg12[%add3A, %dma_start3A_33] : memref<10000x128xf32, #tpu.memory_space<vmem_shared>> -> memref<200x128xf32, #tpu.memory_space<vmem_shared>>
          tpu.enqueue_dma source(%arg11 : memref<200x128xf32, #tpu.memory_space<vmem>>) target(%dma_start3A_34 : memref<200x128xf32, #tpu.memory_space<vmem_shared>>) target_semaphore(%run_scoped3A : memref<!tpu.dma_semaphore, #tpu.memory_space<semaphore_mem>>)
          %dma_wait3A = arith.constant 0 : i32
          %dma_wait3A_35 = tpu.memref_slice %arg12[%add3A, %dma_wait3A] : memref<10000x128xf32, #tpu.memory_space<vmem_shared>> -> memref<200x128xf32, #tpu.memory_space<vmem_shared>>
          %dma_wait3A_36 = arith.constant 0 : i32
          %dma_wait3A_37 = tpu.memref_slice %arg12[%add3A, %dma_wait3A_36] : memref<10000x128xf32, #tpu.memory_space<vmem_shared>> -> memref<200x128xf32, #tpu.memory_space<vmem_shared>>
          tpu.wait_dma2 semaphore(%run_scoped3A : memref<!tpu.dma_semaphore, #tpu.memory_space<semaphore_mem>>) src(%arg11 : memref<200x128xf32, #tpu.memory_space<vmem>>) dst(%dma_wait3A_37 : memref<200x128xf32, #tpu.memory_space<vmem_shared>>)
          tpu.yield
        }) : () -> ()
      }
      %scan3A_26 = arith.constant 5 : i32
    } else {
    }
    %barrier3A = arith.constant 0 : index
    tpu.barrier barrier_id(%barrier3A)
    %mul3A = arith.constant 10000 : i32
    %mul3A_3 = arith.muli %arg1, %mul3A : i32
    %scan3A = arith.constant 0 : i32
    %scan3A_4 = arith.constant 0 : i32
    %scan3A_5 = arith.constant 5 : i32
    %scan3A_6 = arith.addi %scan3A_4, %scan3A_5 : i32
    %scan3A_7 = arith.constant 1 : i32
    scf.for %scan3A_15 = %scan3A_4 to %scan3A_6 step %scan3A_7  : i32 {
      %mul3A_16 = arith.constant 2000 : i32
      %mul3A_17 = arith.muli %scan3A_15, %mul3A_16 : i32
      %add3A = arith.addi %mul3A_3, %mul3A_17 : i32
      "tpu.region"() ({
        %run_scoped3A = tpu.sem_alloc : memref<!tpu.dma_semaphore, #tpu.memory_space<semaphore_mem>>
        %dma_start3A = tpu.memref_slice %arg2[%add3A] : memref<160000xi32, #tpu.memory_space<hbm>> -> memref<2000xi32, #tpu.memory_space<hbm>>
        %dma_start3A_30 = tpu.memref_slice %arg2[%add3A] : memref<160000xi32, #tpu.memory_space<hbm>> -> memref<2000xi32, #tpu.memory_space<hbm>>
        tpu.enqueue_dma source(%dma_start3A_30 : memref<2000xi32, #tpu.memory_space<hbm>>) target(%arg7 : memref<2000xi32, #tpu.memory_space<vmem>>) target_semaphore(%run_scoped3A : memref<!tpu.dma_semaphore, #tpu.memory_space<semaphore_mem>>)
        %dma_wait3A = tpu.memref_slice %arg2[%add3A] : memref<160000xi32, #tpu.memory_space<hbm>> -> memref<2000xi32, #tpu.memory_space<hbm>>
        %dma_wait3A_31 = tpu.memref_slice %arg2[%add3A] : memref<160000xi32, #tpu.memory_space<hbm>> -> memref<2000xi32, #tpu.memory_space<hbm>>
        tpu.wait_dma2 semaphore(%run_scoped3A : memref<!tpu.dma_semaphore, #tpu.memory_space<semaphore_mem>>) src(%dma_wait3A_31 : memref<2000xi32, #tpu.memory_space<hbm>>) dst(%arg7 : memref<2000xi32, #tpu.memory_space<vmem>>)
        tpu.yield
      }) : () -> ()
      "tpu.region"() ({
        %run_scoped3A = tpu.sem_alloc : memref<!tpu.dma_semaphore, #tpu.memory_space<semaphore_mem>>
        %dma_start3A = tpu.memref_slice %arg3[%add3A] : memref<160000xi32, #tpu.memory_space<hbm>> -> memref<2000xi32, #tpu.memory_space<hbm>>
        %dma_start3A_30 = tpu.memref_slice %arg3[%add3A] : memref<160000xi32, #tpu.memory_space<hbm>> -> memref<2000xi32, #tpu.memory_space<hbm>>
        tpu.enqueue_dma source(%dma_start3A_30 : memref<2000xi32, #tpu.memory_space<hbm>>) target(%arg8 : memref<2000xi32, #tpu.memory_space<vmem>>) target_semaphore(%run_scoped3A : memref<!tpu.dma_semaphore, #tpu.memory_space<semaphore_mem>>)
        %dma_wait3A = tpu.memref_slice %arg3[%add3A] : memref<160000xi32, #tpu.memory_space<hbm>> -> memref<2000xi32, #tpu.memory_space<hbm>>
        %dma_wait3A_31 = tpu.memref_slice %arg3[%add3A] : memref<160000xi32, #tpu.memory_space<hbm>> -> memref<2000xi32, #tpu.memory_space<hbm>>
        tpu.wait_dma2 semaphore(%run_scoped3A : memref<!tpu.dma_semaphore, #tpu.memory_space<semaphore_mem>>) src(%dma_wait3A_31 : memref<2000xi32, #tpu.memory_space<hbm>>) dst(%arg8 : memref<2000xi32, #tpu.memory_space<vmem>>)
        tpu.yield
      }) : () -> ()
      %scan3A_18 = arith.constant 0 : i32
      %scan3A_19 = arith.constant 0 : i32
      %scan3A_20 = arith.constant 125 : i32
      %scan3A_21 = arith.addi %scan3A_19, %scan3A_20 : i32
      %scan3A_22 = arith.constant 1 : i32
      scf.for %scan3A_30 = %scan3A_19 to %scan3A_21 step %scan3A_22  : i32 {
        %mul3A_31 = arith.constant 16 : i32
        %mul3A_32 = arith.muli %scan3A_30, %mul3A_31 : i32
        %get3A = arith.index_cast %mul3A_32 : i32 to index
        %get3A_33 = tpu.vector_load %arg8[%get3A] {strides = array<i32>} : memref<2000xi32, #tpu.memory_space<vmem>>, vector<16xi32>,
        %get3A_34 = vector.shape_cast %get3A_33 : vector<16xi32> to vector<16xi32>
        %mul3A_35 = arith.constant 10000 : i32
        %mul3A_36 = arith.muli %arg0, %mul3A_35 : i32
        %add3A_37 = vector.broadcast %mul3A_36 : i32 to vector<16xi32>
        %add3A_38 = arith.addi %get3A_34, %add3A_37 : vector<16xi32>
        %swap3A = arith.index_cast %mul3A_32 : i32 to index
        %swap3A_39 = tpu.vector_load %arg8[%swap3A] {strides = array<i32>} : memref<2000xi32, #tpu.memory_space<vmem>>, vector<16xi32>,
        %swap3A_40 = vector.shape_cast %swap3A_39 : vector<16xi32> to vector<16xi32>
        %swap3A_41 = vector.shape_cast %add3A_38 : vector<16xi32> to vector<16xi32>
        tpu.vector_store %arg8[%swap3A], %swap3A_41 {strides = array<i32>} : memref<2000xi32, #tpu.memory_space<vmem>>, vector<16xi32>,
      }
      %scan3A_23 = arith.constant 125 : i32
      %scan3A_24 = arith.constant 0 : i32
      %scan3A_25 = arith.constant 0 : i32
      %scan3A_26 = arith.constant 25 : i32
      %scan3A_27 = arith.addi %scan3A_25, %scan3A_26 : i32
      %scan3A_28 = arith.constant 1 : i32
      scf.for %scan3A_30 = %scan3A_25 to %scan3A_27 step %scan3A_28  : i32 {
        %mul3A_31 = arith.constant 80 : i32
        %mul3A_32 = arith.muli %scan3A_30, %mul3A_31 : i32
        %dma_start3A = tpu.memref_slice %arg8[%mul3A_32] : memref<2000xi32, #tpu.memory_space<vmem>> -> memref<80xi32, #tpu.memory_space<vmem>>
        %dma_start3A_33 = arith.constant 0 : i32
        %dma_start3A_34 = arith.constant 0 : i32
        %dma_start3A_35 = tpu.memref_slice %arg4[%dma_start3A_33, %dma_start3A_34] : memref<20000x128xf32, #tpu.memory_space<hbm>> -> memref<20000x128xf32, #tpu.memory_space<hbm>>
        tpu.enqueue_indirect_dma source(%dma_start3A_35 : memref<20000x128xf32, #tpu.memory_space<hbm>>) target(%arg9 : memref<80x128xf32, #tpu.memory_space<vmem>>) offsets(%dma_start3A : memref<80xi32, #tpu.memory_space<vmem>>) semaphore(%arg13 : memref<!tpu.dma_semaphore, #tpu.memory_space<semaphore_mem>>)
        %dma_wait3A = tpu.memref_slice %arg8[%mul3A_32] : memref<2000xi32, #tpu.memory_space<vmem>> -> memref<80xi32, #tpu.memory_space<vmem>>
        %dma_wait3A_36 = arith.constant 0 : i32
        %dma_wait3A_37 = arith.constant 0 : i32
        %dma_wait3A_38 = tpu.memref_slice %arg4[%dma_wait3A_36, %dma_wait3A_37] : memref<20000x128xf32, #tpu.memory_space<hbm>> -> memref<20000x128xf32, #tpu.memory_space<hbm>>
        tpu.wait_indirect_dma semaphore(%arg13 : memref<!tpu.dma_semaphore, #tpu.memory_space<semaphore_mem>>) src(%dma_wait3A_38 : memref<20000x128xf32, #tpu.memory_space<hbm>>) dst(%arg9 : memref<80x128xf32, #tpu.memory_space<vmem>>)
        %mul3A_39 = arith.constant 160000 : i32
        %mul3A_40 = arith.muli %arg0, %mul3A_39 : i32
        %add3A_41 = arith.addi %mul3A_40, %add3A : i32
        %add3A_42 = arith.addi %add3A_41, %mul3A_32 : i32
        "tpu.region"() ({
          %run_scoped3A = tpu.sem_alloc : memref<!tpu.dma_semaphore, #tpu.memory_space<semaphore_mem>>
          %dma_start3A_49 = arith.constant 0 : i32
          %dma_start3A_50 = tpu.memref_slice %arg5[%add3A_42, %dma_start3A_49] : memref<320000x128xf32, #tpu.memory_space<hbm>> -> memref<80x128xf32, #tpu.memory_space<hbm>>
          %dma_start3A_51 = arith.constant 0 : i32
          %dma_start3A_52 = tpu.memref_slice %arg5[%add3A_42, %dma_start3A_51] : memref<320000x128xf32, #tpu.memory_space<hbm>> -> memref<80x128xf32, #tpu.memory_space<hbm>>
          tpu.enqueue_dma source(%dma_start3A_52 : memref<80x128xf32, #tpu.memory_space<hbm>>) target(%arg10 : memref<80x128xf32, #tpu.memory_space<vmem>>) target_semaphore(%run_scoped3A : memref<!tpu.dma_semaphore, #tpu.memory_space<semaphore_mem>>)
          %dma_wait3A_53 = arith.constant 0 : i32
          %dma_wait3A_54 = tpu.memref_slice %arg5[%add3A_42, %dma_wait3A_53] : memref<320000x128xf32, #tpu.memory_space<hbm>> -> memref<80x128xf32, #tpu.memory_space<hbm>>
          %dma_wait3A_55 = arith.constant 0 : i32
          %dma_wait3A_56 = tpu.memref_slice %arg5[%add3A_42, %dma_wait3A_55] : memref<320000x128xf32, #tpu.memory_space<hbm>> -> memref<80x128xf32, #tpu.memory_space<hbm>>
          tpu.wait_dma2 semaphore(%run_scoped3A : memref<!tpu.dma_semaphore, #tpu.memory_space<semaphore_mem>>) src(%dma_wait3A_56 : memref<80x128xf32, #tpu.memory_space<hbm>>) dst(%arg10 : memref<80x128xf32, #tpu.memory_space<vmem>>)
          tpu.yield
        }) : () -> ()
        %scan3A_43 = arith.constant 0 : i32
        %scan3A_44 = arith.constant 0 : i32
        %scan3A_45 = arith.constant 80 : i32
        %scan3A_46 = arith.addi %scan3A_44, %scan3A_45 : i32
        %scan3A_47 = arith.constant 1 : i32
        scf.for %scan3A_49 = %scan3A_44 to %scan3A_46 step %scan3A_47  : i32 {
          %scan3A_50 = arith.constant 0 : i32
          %scan3A_51 = arith.constant 8 : i32
          %scan3A_52 = arith.addi %scan3A_50, %scan3A_51 : i32
          %scan3A_53 = arith.constant 1 : i32
          scf.for %scan3A_55 = %scan3A_50 to %scan3A_52 step %scan3A_53  : i32 {
            %mul3A_56 = arith.constant 16 : i32
            %mul3A_57 = arith.muli %scan3A_55, %mul3A_56 : i32
            %get3A = arith.index_cast %scan3A_49 : i32 to index
            %get3A_58 = arith.index_cast %mul3A_57 : i32 to index
            %get3A_59 = tpu.vector_load %arg9[%get3A, %get3A_58] {strides = array<i32>} : memref<80x128xf32, #tpu.memory_space<vmem>>, vector<1x16xf32>,
            %get3A_60 = vector.shape_cast %get3A_59 : vector<1x16xf32> to vector<16xf32>
            %get3A_61 = arith.index_cast %scan3A_49 : i32 to index
            %get3A_62 = arith.index_cast %mul3A_57 : i32 to index
            %get3A_63 = tpu.vector_load %arg10[%get3A_61, %get3A_62] {strides = array<i32>} : memref<80x128xf32, #tpu.memory_space<vmem>>, vector<1x16xf32>,
            %get3A_64 = vector.shape_cast %get3A_63 : vector<1x16xf32> to vector<16xf32>
            %mul3A_65 = arith.mulf %get3A_60, %get3A_64 : vector<16xf32>
            %swap3A = arith.index_cast %scan3A_49 : i32 to index
            %swap3A_66 = arith.index_cast %mul3A_57 : i32 to index
            %swap3A_67 = tpu.vector_load %arg9[%swap3A, %swap3A_66] {strides = array<i32>} : memref<80x128xf32, #tpu.memory_space<vmem>>, vector<1x16xf32>,
            %swap3A_68 = vector.shape_cast %swap3A_67 : vector<1x16xf32> to vector<16xf32>
            %swap3A_69 = vector.shape_cast %mul3A_65 : vector<16xf32> to vector<1x16xf32>
            tpu.vector_store %arg9[%swap3A, %swap3A_66], %swap3A_69 {strides = array<i32>} : memref<80x128xf32, #tpu.memory_space<vmem>>, vector<1x16xf32>,
          }
          %scan3A_54 = arith.constant 8 : i32
        }
        %scan3A_48 = arith.constant 80 : i32
        "tpu.region"() ({
          %run_scoped3A = tpu.sem_alloc : memref<!tpu.dma_semaphore, #tpu.memory_space<semaphore_mem>>
          %dma_start3A_49 = tpu.memref_slice %arg7[%mul3A_32] : memref<2000xi32, #tpu.memory_space<vmem>> -> memref<80xi32, #tpu.memory_space<vmem>>
          %dma_start3A_50 = arith.constant 0 : i32
          %dma_start3A_51 = arith.constant 0 : i32
          %dma_start3A_52 = tpu.memref_slice %arg12[%dma_start3A_50, %dma_start3A_51] : memref<10000x128xf32, #tpu.memory_space<vmem_shared>> -> memref<10000x128xf32, #tpu.memory_space<vmem_shared>>
          tpu.enqueue_indirect_dma source(%arg9 : memref<80x128xf32, #tpu.memory_space<vmem>>) target(%dma_start3A_52 : memref<10000x128xf32, #tpu.memory_space<vmem_shared>>) offsets(%dma_start3A_49 : memref<80xi32, #tpu.memory_space<vmem>>) semaphore(%run_scoped3A : memref<!tpu.dma_semaphore, #tpu.memory_space<semaphore_mem>>) {add = true}
          %dma_wait3A_53 = tpu.memref_slice %arg7[%mul3A_32] : memref<2000xi32, #tpu.memory_space<vmem>> -> memref<80xi32, #tpu.memory_space<vmem>>
          %dma_wait3A_54 = arith.constant 0 : i32
          %dma_wait3A_55 = arith.constant 0 : i32
          %dma_wait3A_56 = tpu.memref_slice %arg12[%dma_wait3A_54, %dma_wait3A_55] : memref<10000x128xf32, #tpu.memory_space<vmem_shared>> -> memref<10000x128xf32, #tpu.memory_space<vmem_shared>>
          tpu.wait_indirect_dma semaphore(%run_scoped3A : memref<!tpu.dma_semaphore, #tpu.memory_space<semaphore_mem>>) src(%arg9 : memref<80x128xf32, #tpu.memory_space<vmem>>) dst(%dma_wait3A_56 : memref<10000x128xf32, #tpu.memory_space<vmem_shared>>)
          tpu.yield
        }) : () -> ()
      }
      %scan3A_29 = arith.constant 25 : i32
    }
    %scan3A_8 = arith.constant 5 : i32
    %barrier3A_9 = arith.constant 0 : index
    tpu.barrier barrier_id(%barrier3A_9)
    %lt3A_10 = arith.constant 10 : i32
    %lt3A_11 = arith.cmpi slt, %arg1, %lt3A_10 : i32
    %convert_element_type3A_12 = arith.extui %lt3A_11 : i1 to i32
    %cond3A_13 = arith.constant 0 : i32
    %cond3A_14 = arith.cmpi ne, %convert_element_type3A_12, %cond3A_13 : i32
    scf.if %cond3A_14 {
      %mul3A_15 = arith.constant 1000 : i32
      %mul3A_16 = arith.muli %arg1, %mul3A_15 : i32
      %mul3A_17 = arith.constant 10000 : i32
      %mul3A_18 = arith.muli %arg0, %mul3A_17 : i32
      %mul3A_19 = arith.constant 1000 : i32
      %mul3A_20 = arith.muli %arg1, %mul3A_19 : i32
      %add3A = arith.addi %mul3A_18, %mul3A_20 : i32
      "tpu.region"() ({
        %run_scoped3A = tpu.sem_alloc : memref<!tpu.dma_semaphore, #tpu.memory_space<semaphore_mem>>
        %dma_start3A = arith.constant 0 : i32
        %dma_start3A_21 = tpu.memref_slice %arg6[%add3A, %dma_start3A] : memref<20000x128xf32, #tpu.memory_space<hbm>> -> memref<1000x128xf32, #tpu.memory_space<hbm>>
        %dma_start3A_22 = arith.constant 0 : i32
        %dma_start3A_23 = tpu.memref_slice %arg12[%mul3A_16, %dma_start3A_22] : memref<10000x128xf32, #tpu.memory_space<vmem_shared>> -> memref<1000x128xf32, #tpu.memory_space<vmem_shared>>
        tpu.enqueue_dma source(%dma_start3A_23 : memref<1000x128xf32, #tpu.memory_space<vmem_shared>>) target(%dma_start3A_21 : memref<1000x128xf32, #tpu.memory_space<hbm>>) target_semaphore(%run_scoped3A : memref<!tpu.dma_semaphore, #tpu.memory_space<semaphore_mem>>)
        %dma_wait3A = arith.constant 0 : i32
        %dma_wait3A_24 = tpu.memref_slice %arg6[%add3A, %dma_wait3A] : memref<20000x128xf32, #tpu.memory_space<hbm>> -> memref<1000x128xf32, #tpu.memory_space<hbm>>
        %dma_wait3A_25 = arith.constant 0 : i32
        %dma_wait3A_26 = tpu.memref_slice %arg12[%mul3A_16, %dma_wait3A_25] : memref<10000x128xf32, #tpu.memory_space<vmem_shared>> -> memref<1000x128xf32, #tpu.memory_space<vmem_shared>>
        tpu.wait_dma2 semaphore(%run_scoped3A : memref<!tpu.dma_semaphore, #tpu.memory_space<semaphore_mem>>) src(%dma_wait3A_26 : memref<1000x128xf32, #tpu.memory_space<vmem_shared>>) dst(%dma_wait3A_24 : memref<1000x128xf32, #tpu.memory_space<hbm>>)
        tpu.yield
      }) : () -> ()
    } else {
    }
    return
  }
}

#map = affine_map<(d0, d1) -> (0)>
#map1 = affine_map<(d0, d1) -> (0, 0)>
module attributes {stable_mosaic.version = 14 : i64} {
  func.func @_sc_gsum_body(%arg0: i32, %arg1: i32, %arg2: memref<160000xi32, #tpu.memory_space<hbm>>, %arg3: memref<160000xi32, #tpu.memory_space<hbm>>, %arg4: memref<10000x256xf32, #tpu.memory_space<hbm>>, %arg5: memref<10000x256xf32, #tpu.memory_space<hbm>>, %arg6: memref<160000x256xf32, #tpu.memory_space<hbm>>, %arg7: memref<5000xi32, #tpu.memory_space<vmem>>, %arg8: memref<5000xi32, #tpu.memory_space<vmem>>, %arg9: memref<40x256xf32, #tpu.memory_space<vmem>>, %arg10: memref<40x256xf32, #tpu.memory_space<vmem>>, %arg11: memref<!tpu.dma_semaphore, #tpu.memory_space<semaphore_mem>>, %arg12: memref<!tpu.dma_semaphore, #tpu.memory_space<semaphore_mem>>) attributes {dimension_semantics = [#tpu.dimension_semantics<core_parallel>, #tpu.dimension_semantics<subcore_parallel>], iteration_bounds = array<i64: 2, 16>, scalar_prefetch = 0 : i64, scratch_operands = 6 : i64, tpu.core_type = #tpu.core_type<sc_vector_subcore>, window_params = [{transform_indices = #map}, {transform_indices = #map}, {transform_indices = #map1}, {transform_indices = #map1}, {transform_indices = #map1}]} {
    %mul3A = arith.constant 2 : i32
    %mul3A_0 = arith.muli %arg1, %mul3A : i32
    %add3A = arith.addi %mul3A_0, %arg0 : i32
    %mul3A_1 = arith.constant 5000 : i32
    %mul3A_2 = arith.muli %add3A, %mul3A_1 : i32
    "tpu.region"() ({
      %run_scoped3A = tpu.sem_alloc : memref<!tpu.dma_semaphore, #tpu.memory_space<semaphore_mem>>
      %dma_start3A = tpu.memref_slice %arg2[%mul3A_2] : memref<160000xi32, #tpu.memory_space<hbm>> -> memref<5000xi32, #tpu.memory_space<hbm>>
      %dma_start3A_8 = tpu.memref_slice %arg2[%mul3A_2] : memref<160000xi32, #tpu.memory_space<hbm>> -> memref<5000xi32, #tpu.memory_space<hbm>>
      tpu.enqueue_dma source(%dma_start3A_8 : memref<5000xi32, #tpu.memory_space<hbm>>) target(%arg7 : memref<5000xi32, #tpu.memory_space<vmem>>) target_semaphore(%run_scoped3A : memref<!tpu.dma_semaphore, #tpu.memory_space<semaphore_mem>>)
      %dma_wait3A = tpu.memref_slice %arg2[%mul3A_2] : memref<160000xi32, #tpu.memory_space<hbm>> -> memref<5000xi32, #tpu.memory_space<hbm>>
      %dma_wait3A_9 = tpu.memref_slice %arg2[%mul3A_2] : memref<160000xi32, #tpu.memory_space<hbm>> -> memref<5000xi32, #tpu.memory_space<hbm>>
      tpu.wait_dma2 semaphore(%run_scoped3A : memref<!tpu.dma_semaphore, #tpu.memory_space<semaphore_mem>>) src(%dma_wait3A_9 : memref<5000xi32, #tpu.memory_space<hbm>>) dst(%arg7 : memref<5000xi32, #tpu.memory_space<vmem>>)
      tpu.yield
    }) : () -> ()
    "tpu.region"() ({
      %run_scoped3A = tpu.sem_alloc : memref<!tpu.dma_semaphore, #tpu.memory_space<semaphore_mem>>
      %dma_start3A = tpu.memref_slice %arg3[%mul3A_2] : memref<160000xi32, #tpu.memory_space<hbm>> -> memref<5000xi32, #tpu.memory_space<hbm>>
      %dma_start3A_8 = tpu.memref_slice %arg3[%mul3A_2] : memref<160000xi32, #tpu.memory_space<hbm>> -> memref<5000xi32, #tpu.memory_space<hbm>>
      tpu.enqueue_dma source(%dma_start3A_8 : memref<5000xi32, #tpu.memory_space<hbm>>) target(%arg8 : memref<5000xi32, #tpu.memory_space<vmem>>) target_semaphore(%run_scoped3A : memref<!tpu.dma_semaphore, #tpu.memory_space<semaphore_mem>>)
      %dma_wait3A = tpu.memref_slice %arg3[%mul3A_2] : memref<160000xi32, #tpu.memory_space<hbm>> -> memref<5000xi32, #tpu.memory_space<hbm>>
      %dma_wait3A_9 = tpu.memref_slice %arg3[%mul3A_2] : memref<160000xi32, #tpu.memory_space<hbm>> -> memref<5000xi32, #tpu.memory_space<hbm>>
      tpu.wait_dma2 semaphore(%run_scoped3A : memref<!tpu.dma_semaphore, #tpu.memory_space<semaphore_mem>>) src(%dma_wait3A_9 : memref<5000xi32, #tpu.memory_space<hbm>>) dst(%arg8 : memref<5000xi32, #tpu.memory_space<vmem>>)
      tpu.yield
    }) : () -> ()
    %scan3A = arith.constant 0 : i32
    %scan3A_3 = arith.constant 0 : i32
    %scan3A_4 = arith.constant 125 : i32
    %scan3A_5 = arith.addi %scan3A_3, %scan3A_4 : i32
    %scan3A_6 = arith.constant 1 : i32
    scf.for %scan3A_8 = %scan3A_3 to %scan3A_5 step %scan3A_6  : i32 {
      %mul3A_9 = arith.constant 40 : i32
      %mul3A_10 = arith.muli %scan3A_8, %mul3A_9 : i32
      %dma_start3A = tpu.memref_slice %arg7[%mul3A_10] : memref<5000xi32, #tpu.memory_space<vmem>> -> memref<40xi32, #tpu.memory_space<vmem>>
      %dma_start3A_11 = arith.constant 0 : i32
      %dma_start3A_12 = arith.constant 0 : i32
      %dma_start3A_13 = tpu.memref_slice %arg4[%dma_start3A_11, %dma_start3A_12] : memref<10000x256xf32, #tpu.memory_space<hbm>> -> memref<10000x256xf32, #tpu.memory_space<hbm>>
      tpu.enqueue_indirect_dma source(%dma_start3A_13 : memref<10000x256xf32, #tpu.memory_space<hbm>>) target(%arg9 : memref<40x256xf32, #tpu.memory_space<vmem>>) offsets(%dma_start3A : memref<40xi32, #tpu.memory_space<vmem>>) semaphore(%arg11 : memref<!tpu.dma_semaphore, #tpu.memory_space<semaphore_mem>>)
      %dma_start3A_14 = tpu.memref_slice %arg8[%mul3A_10] : memref<5000xi32, #tpu.memory_space<vmem>> -> memref<40xi32, #tpu.memory_space<vmem>>
      %dma_start3A_15 = arith.constant 0 : i32
      %dma_start3A_16 = arith.constant 0 : i32
      %dma_start3A_17 = tpu.memref_slice %arg5[%dma_start3A_15, %dma_start3A_16] : memref<10000x256xf32, #tpu.memory_space<hbm>> -> memref<10000x256xf32, #tpu.memory_space<hbm>>
      tpu.enqueue_indirect_dma source(%dma_start3A_17 : memref<10000x256xf32, #tpu.memory_space<hbm>>) target(%arg10 : memref<40x256xf32, #tpu.memory_space<vmem>>) offsets(%dma_start3A_14 : memref<40xi32, #tpu.memory_space<vmem>>) semaphore(%arg12 : memref<!tpu.dma_semaphore, #tpu.memory_space<semaphore_mem>>)
      %dma_wait3A = tpu.memref_slice %arg7[%mul3A_10] : memref<5000xi32, #tpu.memory_space<vmem>> -> memref<40xi32, #tpu.memory_space<vmem>>
      %dma_wait3A_18 = arith.constant 0 : i32
      %dma_wait3A_19 = arith.constant 0 : i32
      %dma_wait3A_20 = tpu.memref_slice %arg4[%dma_wait3A_18, %dma_wait3A_19] : memref<10000x256xf32, #tpu.memory_space<hbm>> -> memref<10000x256xf32, #tpu.memory_space<hbm>>
      tpu.wait_indirect_dma semaphore(%arg11 : memref<!tpu.dma_semaphore, #tpu.memory_space<semaphore_mem>>) src(%dma_wait3A_20 : memref<10000x256xf32, #tpu.memory_space<hbm>>) dst(%arg9 : memref<40x256xf32, #tpu.memory_space<vmem>>)
      %dma_wait3A_21 = tpu.memref_slice %arg8[%mul3A_10] : memref<5000xi32, #tpu.memory_space<vmem>> -> memref<40xi32, #tpu.memory_space<vmem>>
      %dma_wait3A_22 = arith.constant 0 : i32
      %dma_wait3A_23 = arith.constant 0 : i32
      %dma_wait3A_24 = tpu.memref_slice %arg5[%dma_wait3A_22, %dma_wait3A_23] : memref<10000x256xf32, #tpu.memory_space<hbm>> -> memref<10000x256xf32, #tpu.memory_space<hbm>>
      tpu.wait_indirect_dma semaphore(%arg12 : memref<!tpu.dma_semaphore, #tpu.memory_space<semaphore_mem>>) src(%dma_wait3A_24 : memref<10000x256xf32, #tpu.memory_space<hbm>>) dst(%arg10 : memref<40x256xf32, #tpu.memory_space<vmem>>)
      %scan3A_25 = arith.constant 0 : i32
      %scan3A_26 = arith.constant 0 : i32
      %scan3A_27 = arith.constant 40 : i32
      %scan3A_28 = arith.addi %scan3A_26, %scan3A_27 : i32
      %scan3A_29 = arith.constant 1 : i32
      scf.for %scan3A_32 = %scan3A_26 to %scan3A_28 step %scan3A_29  : i32 {
        %scan3A_33 = arith.constant 0 : i32
        %scan3A_34 = arith.constant 16 : i32
        %scan3A_35 = arith.addi %scan3A_33, %scan3A_34 : i32
        %scan3A_36 = arith.constant 1 : i32
        scf.for %scan3A_38 = %scan3A_33 to %scan3A_35 step %scan3A_36  : i32 {
          %mul3A_39 = arith.constant 16 : i32
          %mul3A_40 = arith.muli %scan3A_38, %mul3A_39 : i32
          %get3A = arith.index_cast %scan3A_32 : i32 to index
          %get3A_41 = arith.index_cast %mul3A_40 : i32 to index
          %get3A_42 = tpu.vector_load %arg9[%get3A, %get3A_41] {strides = array<i32>} : memref<40x256xf32, #tpu.memory_space<vmem>>, vector<1x16xf32>,
          %get3A_43 = vector.shape_cast %get3A_42 : vector<1x16xf32> to vector<16xf32>
          %get3A_44 = arith.index_cast %scan3A_32 : i32 to index
          %get3A_45 = arith.index_cast %mul3A_40 : i32 to index
          %get3A_46 = tpu.vector_load %arg10[%get3A_44, %get3A_45] {strides = array<i32>} : memref<40x256xf32, #tpu.memory_space<vmem>>, vector<1x16xf32>,
          %get3A_47 = vector.shape_cast %get3A_46 : vector<1x16xf32> to vector<16xf32>
          %add3A_48 = arith.addf %get3A_43, %get3A_47 : vector<16xf32>
          %swap3A = arith.index_cast %scan3A_32 : i32 to index
          %swap3A_49 = arith.index_cast %mul3A_40 : i32 to index
          %swap3A_50 = tpu.vector_load %arg9[%swap3A, %swap3A_49] {strides = array<i32>} : memref<40x256xf32, #tpu.memory_space<vmem>>, vector<1x16xf32>,
          %swap3A_51 = vector.shape_cast %swap3A_50 : vector<1x16xf32> to vector<16xf32>
          %swap3A_52 = vector.shape_cast %add3A_48 : vector<16xf32> to vector<1x16xf32>
          tpu.vector_store %arg9[%swap3A, %swap3A_49], %swap3A_52 {strides = array<i32>} : memref<40x256xf32, #tpu.memory_space<vmem>>, vector<1x16xf32>,
        }
        %scan3A_37 = arith.constant 16 : i32
      }
      %scan3A_30 = arith.constant 40 : i32
      %add3A_31 = arith.addi %mul3A_2, %mul3A_10 : i32
      "tpu.region"() ({
        %run_scoped3A = tpu.sem_alloc : memref<!tpu.dma_semaphore, #tpu.memory_space<semaphore_mem>>
        %dma_start3A_32 = arith.constant 0 : i32
        %dma_start3A_33 = tpu.memref_slice %arg6[%add3A_31, %dma_start3A_32] : memref<160000x256xf32, #tpu.memory_space<hbm>> -> memref<40x256xf32, #tpu.memory_space<hbm>>
        %dma_start3A_34 = arith.constant 0 : i32
        %dma_start3A_35 = tpu.memref_slice %arg6[%add3A_31, %dma_start3A_34] : memref<160000x256xf32, #tpu.memory_space<hbm>> -> memref<40x256xf32, #tpu.memory_space<hbm>>
        tpu.enqueue_dma source(%arg9 : memref<40x256xf32, #tpu.memory_space<vmem>>) target(%dma_start3A_35 : memref<40x256xf32, #tpu.memory_space<hbm>>) target_semaphore(%run_scoped3A : memref<!tpu.dma_semaphore, #tpu.memory_space<semaphore_mem>>)
        %dma_wait3A_36 = arith.constant 0 : i32
        %dma_wait3A_37 = tpu.memref_slice %arg6[%add3A_31, %dma_wait3A_36] : memref<160000x256xf32, #tpu.memory_space<hbm>> -> memref<40x256xf32, #tpu.memory_space<hbm>>
        %dma_wait3A_38 = arith.constant 0 : i32
        %dma_wait3A_39 = tpu.memref_slice %arg6[%add3A_31, %dma_wait3A_38] : memref<160000x256xf32, #tpu.memory_space<hbm>> -> memref<40x256xf32, #tpu.memory_space<hbm>>
        tpu.wait_dma2 semaphore(%run_scoped3A : memref<!tpu.dma_semaphore, #tpu.memory_space<semaphore_mem>>) src(%arg9 : memref<40x256xf32, #tpu.memory_space<vmem>>) dst(%dma_wait3A_39 : memref<40x256xf32, #tpu.memory_space<hbm>>)
        tpu.yield
      }) : () -> ()
    }
    %scan3A_7 = arith.constant 125 : i32
    return
  }
}

#map = affine_map<(d0, d1) -> (0)>
#map1 = affine_map<(d0, d1) -> (0, 0)>
module attributes {stable_mosaic.version = 14 : i64} {
  func.func @_sc_cnt_body(%arg0: i32, %arg1: i32, %arg2: memref<160000xi32, #tpu.memory_space<hbm>>, %arg3: memref<20000x128xf32, #tpu.memory_space<hbm>>, %arg4: memref<40xi32, #tpu.memory_space<vmem>>, %arg5: memref<40x128xf32, #tpu.memory_space<vmem>>, %arg6: memref<200x128xf32, #tpu.memory_space<vmem>>, %arg7: memref<10000x128xf32, #tpu.memory_space<vmem_shared>>) attributes {dimension_semantics = [#tpu.dimension_semantics<core_parallel>, #tpu.dimension_semantics<subcore_parallel>], iteration_bounds = array<i64: 2, 16>, scalar_prefetch = 0 : i64, scratch_operands = 4 : i64, tpu.core_type = #tpu.core_type<sc_vector_subcore>, window_params = [{transform_indices = #map}, {transform_indices = #map1}]} {
    %broadcast_in_dim3A = arith.constant 0.000000e+00 : f32
    %broadcast_in_dim3A_0 = vector.broadcast %broadcast_in_dim3A : f32 to vector<16xf32>
    %broadcast_in_dim3A_1 = arith.constant 7.812500e-03 : f32
    %broadcast_in_dim3A_2 = vector.broadcast %broadcast_in_dim3A_1 : f32 to vector<16xf32>
    %scan3A = arith.constant 0 : i32
    %scan3A_3 = arith.constant 0 : i32
    %scan3A_4 = arith.constant 40 : i32
    %scan3A_5 = arith.addi %scan3A_3, %scan3A_4 : i32
    %scan3A_6 = arith.constant 1 : i32
    scf.for %scan3A_31 = %scan3A_3 to %scan3A_5 step %scan3A_6  : i32 {
      %scan3A_32 = arith.constant 0 : i32
      %scan3A_33 = arith.constant 8 : i32
      %scan3A_34 = arith.addi %scan3A_32, %scan3A_33 : i32
      %scan3A_35 = arith.constant 1 : i32
      scf.for %scan3A_37 = %scan3A_32 to %scan3A_34 step %scan3A_35  : i32 {
        %mul3A_38 = arith.constant 16 : i32
        %mul3A_39 = arith.muli %scan3A_37, %mul3A_38 : i32
        %swap3A = arith.index_cast %scan3A_31 : i32 to index
        %swap3A_40 = arith.index_cast %mul3A_39 : i32 to index
        %swap3A_41 = tpu.vector_load %arg5[%swap3A, %swap3A_40] {strides = array<i32>} : memref<40x128xf32, #tpu.memory_space<vmem>>, vector<1x16xf32>,
        %swap3A_42 = vector.shape_cast %swap3A_41 : vector<1x16xf32> to vector<16xf32>
        %swap3A_43 = vector.shape_cast %broadcast_in_dim3A_2 : vector<16xf32> to vector<1x16xf32>
        tpu.vector_store %arg5[%swap3A, %swap3A_40], %swap3A_43 {strides = array<i32>} : memref<40x128xf32, #tpu.memory_space<vmem>>, vector<1x16xf32>,
      }
      %scan3A_36 = arith.constant 8 : i32
    }
    %scan3A_7 = arith.constant 40 : i32
    %scan3A_8 = arith.constant 0 : i32
    %scan3A_9 = arith.constant 0 : i32
    %scan3A_10 = arith.constant 200 : i32
    %scan3A_11 = arith.addi %scan3A_9, %scan3A_10 : i32
    %scan3A_12 = arith.constant 1 : i32
    scf.for %scan3A_31 = %scan3A_9 to %scan3A_11 step %scan3A_12  : i32 {
      %scan3A_32 = arith.constant 0 : i32
      %scan3A_33 = arith.constant 8 : i32
      %scan3A_34 = arith.addi %scan3A_32, %scan3A_33 : i32
      %scan3A_35 = arith.constant 1 : i32
      scf.for %scan3A_37 = %scan3A_32 to %scan3A_34 step %scan3A_35  : i32 {
        %mul3A_38 = arith.constant 16 : i32
        %mul3A_39 = arith.muli %scan3A_37, %mul3A_38 : i32
        %swap3A = arith.index_cast %scan3A_31 : i32 to index
        %swap3A_40 = arith.index_cast %mul3A_39 : i32 to index
        %swap3A_41 = tpu.vector_load %arg6[%swap3A, %swap3A_40] {strides = array<i32>} : memref<200x128xf32, #tpu.memory_space<vmem>>, vector<1x16xf32>,
        %swap3A_42 = vector.shape_cast %swap3A_41 : vector<1x16xf32> to vector<16xf32>
        %swap3A_43 = vector.shape_cast %broadcast_in_dim3A_0 : vector<16xf32> to vector<1x16xf32>
        tpu.vector_store %arg6[%swap3A, %swap3A_40], %swap3A_43 {strides = array<i32>} : memref<200x128xf32, #tpu.memory_space<vmem>>, vector<1x16xf32>,
      }
      %scan3A_36 = arith.constant 8 : i32
    }
    %scan3A_13 = arith.constant 200 : i32
    %lt3A = arith.constant 10 : i32
    %lt3A_14 = arith.cmpi slt, %arg1, %lt3A : i32
    %convert_element_type3A = arith.extui %lt3A_14 : i1 to i32
    %cond3A = arith.constant 0 : i32
    %cond3A_15 = arith.cmpi ne, %convert_element_type3A, %cond3A : i32
    scf.if %cond3A_15 {
      %scan3A_31 = arith.constant 0 : i32
      %scan3A_32 = arith.constant 0 : i32
      %scan3A_33 = arith.constant 5 : i32
      %scan3A_34 = arith.addi %scan3A_32, %scan3A_33 : i32
      %scan3A_35 = arith.constant 1 : i32
      scf.for %scan3A_37 = %scan3A_32 to %scan3A_34 step %scan3A_35  : i32 {
        %mul3A_38 = arith.constant 1000 : i32
        %mul3A_39 = arith.muli %arg1, %mul3A_38 : i32
        %mul3A_40 = arith.constant 200 : i32
        %mul3A_41 = arith.muli %scan3A_37, %mul3A_40 : i32
        %add3A_42 = arith.addi %mul3A_39, %mul3A_41 : i32
        "tpu.region"() ({
          %run_scoped3A = tpu.sem_alloc : memref<!tpu.dma_semaphore, #tpu.memory_space<semaphore_mem>>
          %dma_start3A = arith.constant 0 : i32
          %dma_start3A_43 = tpu.memref_slice %arg7[%add3A_42, %dma_start3A] : memref<10000x128xf32, #tpu.memory_space<vmem_shared>> -> memref<200x128xf32, #tpu.memory_space<vmem_shared>>
          %dma_start3A_44 = arith.constant 0 : i32
          %dma_start3A_45 = tpu.memref_slice %arg7[%add3A_42, %dma_start3A_44] : memref<10000x128xf32, #tpu.memory_space<vmem_shared>> -> memref<200x128xf32, #tpu.memory_space<vmem_shared>>
          tpu.enqueue_dma source(%arg6 : memref<200x128xf32, #tpu.memory_space<vmem>>) target(%dma_start3A_45 : memref<200x128xf32, #tpu.memory_space<vmem_shared>>) target_semaphore(%run_scoped3A : memref<!tpu.dma_semaphore, #tpu.memory_space<semaphore_mem>>)
          %dma_wait3A = arith.constant 0 : i32
          %dma_wait3A_46 = tpu.memref_slice %arg7[%add3A_42, %dma_wait3A] : memref<10000x128xf32, #tpu.memory_space<vmem_shared>> -> memref<200x128xf32, #tpu.memory_space<vmem_shared>>
          %dma_wait3A_47 = arith.constant 0 : i32
          %dma_wait3A_48 = tpu.memref_slice %arg7[%add3A_42, %dma_wait3A_47] : memref<10000x128xf32, #tpu.memory_space<vmem_shared>> -> memref<200x128xf32, #tpu.memory_space<vmem_shared>>
          tpu.wait_dma2 semaphore(%run_scoped3A : memref<!tpu.dma_semaphore, #tpu.memory_space<semaphore_mem>>) src(%arg6 : memref<200x128xf32, #tpu.memory_space<vmem>>) dst(%dma_wait3A_48 : memref<200x128xf32, #tpu.memory_space<vmem_shared>>)
          tpu.yield
        }) : () -> ()
      }
      %scan3A_36 = arith.constant 5 : i32
    } else {
    }
    %barrier3A = arith.constant 0 : index
    tpu.barrier barrier_id(%barrier3A)
    %mul3A = arith.constant 80000 : i32
    %mul3A_16 = arith.muli %arg0, %mul3A : i32
    %mul3A_17 = arith.constant 5000 : i32
    %mul3A_18 = arith.muli %arg1, %mul3A_17 : i32
    %add3A = arith.addi %mul3A_16, %mul3A_18 : i32
    %scan3A_19 = arith.constant 0 : i32
    %scan3A_20 = arith.constant 0 : i32
    %scan3A_21 = arith.constant 125 : i32
    %scan3A_22 = arith.addi %scan3A_20, %scan3A_21 : i32
    %scan3A_23 = arith.constant 1 : i32
    scf.for %scan3A_31 = %scan3A_20 to %scan3A_22 step %scan3A_23  : i32 {
      %mul3A_32 = arith.constant 40 : i32
      %mul3A_33 = arith.muli %scan3A_31, %mul3A_32 : i32
      %add3A_34 = arith.addi %add3A, %mul3A_33 : i32
      "tpu.region"() ({
        %run_scoped3A = tpu.sem_alloc : memref<!tpu.dma_semaphore, #tpu.memory_space<semaphore_mem>>
        %dma_start3A = tpu.memref_slice %arg2[%add3A_34] : memref<160000xi32, #tpu.memory_space<hbm>> -> memref<40xi32, #tpu.memory_space<hbm>>
        %dma_start3A_35 = tpu.memref_slice %arg2[%add3A_34] : memref<160000xi32, #tpu.memory_space<hbm>> -> memref<40xi32, #tpu.memory_space<hbm>>
        tpu.enqueue_dma source(%dma_start3A_35 : memref<40xi32, #tpu.memory_space<hbm>>) target(%arg4 : memref<40xi32, #tpu.memory_space<vmem>>) target_semaphore(%run_scoped3A : memref<!tpu.dma_semaphore, #tpu.memory_space<semaphore_mem>>)
        %dma_wait3A = tpu.memref_slice %arg2[%add3A_34] : memref<160000xi32, #tpu.memory_space<hbm>> -> memref<40xi32, #tpu.memory_space<hbm>>
        %dma_wait3A_36 = tpu.memref_slice %arg2[%add3A_34] : memref<160000xi32, #tpu.memory_space<hbm>> -> memref<40xi32, #tpu.memory_space<hbm>>
        tpu.wait_dma2 semaphore(%run_scoped3A : memref<!tpu.dma_semaphore, #tpu.memory_space<semaphore_mem>>) src(%dma_wait3A_36 : memref<40xi32, #tpu.memory_space<hbm>>) dst(%arg4 : memref<40xi32, #tpu.memory_space<vmem>>)
        tpu.yield
      }) : () -> ()
      "tpu.region"() ({
        %run_scoped3A = tpu.sem_alloc : memref<!tpu.dma_semaphore, #tpu.memory_space<semaphore_mem>>
        %dma_start3A = arith.constant 0 : i32
        %dma_start3A_35 = arith.constant 0 : i32
        %dma_start3A_36 = tpu.memref_slice %arg7[%dma_start3A, %dma_start3A_35] : memref<10000x128xf32, #tpu.memory_space<vmem_shared>> -> memref<10000x128xf32, #tpu.memory_space<vmem_shared>>
        tpu.enqueue_indirect_dma source(%arg5 : memref<40x128xf32, #tpu.memory_space<vmem>>) target(%dma_start3A_36 : memref<10000x128xf32, #tpu.memory_space<vmem_shared>>) offsets(%arg4 : memref<40xi32, #tpu.memory_space<vmem>>) semaphore(%run_scoped3A : memref<!tpu.dma_semaphore, #tpu.memory_space<semaphore_mem>>) {add = true}
        %dma_wait3A = arith.constant 0 : i32
        %dma_wait3A_37 = arith.constant 0 : i32
        %dma_wait3A_38 = tpu.memref_slice %arg7[%dma_wait3A, %dma_wait3A_37] : memref<10000x128xf32, #tpu.memory_space<vmem_shared>> -> memref<10000x128xf32, #tpu.memory_space<vmem_shared>>
        tpu.wait_indirect_dma semaphore(%run_scoped3A : memref<!tpu.dma_semaphore, #tpu.memory_space<semaphore_mem>>) src(%arg5 : memref<40x128xf32, #tpu.memory_space<vmem>>) dst(%dma_wait3A_38 : memref<10000x128xf32, #tpu.memory_space<vmem_shared>>)
        tpu.yield
      }) : () -> ()
    }
    %scan3A_24 = arith.constant 125 : i32
    %barrier3A_25 = arith.constant 0 : index
    tpu.barrier barrier_id(%barrier3A_25)
    %lt3A_26 = arith.constant 10 : i32
    %lt3A_27 = arith.cmpi slt, %arg1, %lt3A_26 : i32
    %convert_element_type3A_28 = arith.extui %lt3A_27 : i1 to i32
    %cond3A_29 = arith.constant 0 : i32
    %cond3A_30 = arith.cmpi ne, %convert_element_type3A_28, %cond3A_29 : i32
    scf.if %cond3A_30 {
      %mul3A_31 = arith.constant 1000 : i32
      %mul3A_32 = arith.muli %arg1, %mul3A_31 : i32
      %mul3A_33 = arith.constant 10000 : i32
      %mul3A_34 = arith.muli %arg0, %mul3A_33 : i32
      %mul3A_35 = arith.constant 1000 : i32
      %mul3A_36 = arith.muli %arg1, %mul3A_35 : i32
      %add3A_37 = arith.addi %mul3A_34, %mul3A_36 : i32
      "tpu.region"() ({
        %run_scoped3A = tpu.sem_alloc : memref<!tpu.dma_semaphore, #tpu.memory_space<semaphore_mem>>
        %dma_start3A = arith.constant 0 : i32
        %dma_start3A_38 = tpu.memref_slice %arg3[%add3A_37, %dma_start3A] : memref<20000x128xf32, #tpu.memory_space<hbm>> -> memref<1000x128xf32, #tpu.memory_space<hbm>>
        %dma_start3A_39 = arith.constant 0 : i32
        %dma_start3A_40 = tpu.memref_slice %arg7[%mul3A_32, %dma_start3A_39] : memref<10000x128xf32, #tpu.memory_space<vmem_shared>> -> memref<1000x128xf32, #tpu.memory_space<vmem_shared>>
        tpu.enqueue_dma source(%dma_start3A_40 : memref<1000x128xf32, #tpu.memory_space<vmem_shared>>) target(%dma_start3A_38 : memref<1000x128xf32, #tpu.memory_space<hbm>>) target_semaphore(%run_scoped3A : memref<!tpu.dma_semaphore, #tpu.memory_space<semaphore_mem>>)
        %dma_wait3A = arith.constant 0 : i32
        %dma_wait3A_41 = tpu.memref_slice %arg3[%add3A_37, %dma_wait3A] : memref<20000x128xf32, #tpu.memory_space<hbm>> -> memref<1000x128xf32, #tpu.memory_space<hbm>>
        %dma_wait3A_42 = arith.constant 0 : i32
        %dma_wait3A_43 = tpu.memref_slice %arg7[%mul3A_32, %dma_wait3A_42] : memref<10000x128xf32, #tpu.memory_space<vmem_shared>> -> memref<1000x128xf32, #tpu.memory_space<vmem_shared>>
        tpu.wait_dma2 semaphore(%run_scoped3A : memref<!tpu.dma_semaphore, #tpu.memory_space<semaphore_mem>>) src(%dma_wait3A_43 : memref<1000x128xf32, #tpu.memory_space<vmem_shared>>) dst(%dma_wait3A_41 : memref<1000x128xf32, #tpu.memory_space<hbm>>)
        tpu.yield
      }) : () -> ()
    } else {
    }
    return
  }
}

module attributes {stable_mosaic.version = 14 : i64} {
  func.func @_node_mm_body(%arg0: i32, %arg1: memref<1000x256xf32, #tpu.memory_space<vmem>>, %arg2: memref<256x256xf32, #tpu.memory_space<vmem>>, %arg3: memref<1x256xf32, #tpu.memory_space<vmem>>, %arg4: memref<256x256xf32, #tpu.memory_space<vmem>>, %arg5: memref<1x256xf32, #tpu.memory_space<vmem>>, %arg6: memref<256x256xf32, #tpu.memory_space<vmem>>, %arg7: memref<1x256xf32, #tpu.memory_space<vmem>>, %arg8: memref<256x256xf32, #tpu.memory_space<vmem>>, %arg9: memref<1x256xf32, #tpu.memory_space<vmem>>, %arg10: memref<1000x256xf32, #tpu.memory_space<vmem>>, %arg11: memref<2x1000x128xf32, #tpu.memory_space<vmem>>, %arg12: memref<1000x256xf32, #tpu.memory_space<vmem>>, %arg13: memref<1000x256xf32, #tpu.memory_space<vmem>>) attributes {dimension_semantics = [#tpu.dimension_semantics<arbitrary>], iteration_bounds = array<i64: 10>, scalar_prefetch = 0 : i64, scratch_operands = 0 : i64, tpu.core_type = #tpu.core_type<tc>, window_params = [{transform_indices = @transform_0, window_bounds = array<i64: 1000, 256>}, {pipeline_mode = #tpu.pipeline_mode<synchronous>, transform_indices = @transform_1, window_bounds = array<i64: 256, 256>}, {pipeline_mode = #tpu.pipeline_mode<synchronous>, transform_indices = @transform_2, window_bounds = array<i64: 1, 256>}, {pipeline_mode = #tpu.pipeline_mode<synchronous>, transform_indices = @transform_3, window_bounds = array<i64: 256, 256>}, {pipeline_mode = #tpu.pipeline_mode<synchronous>, transform_indices = @transform_4, window_bounds = array<i64: 1, 256>}, {pipeline_mode = #tpu.pipeline_mode<synchronous>, transform_indices = @transform_5, window_bounds = array<i64: 256, 256>}, {pipeline_mode = #tpu.pipeline_mode<synchronous>, transform_indices = @transform_6, window_bounds = array<i64: 1, 256>}, {pipeline_mode = #tpu.pipeline_mode<synchronous>, transform_indices = @transform_7, window_bounds = array<i64: 256, 256>}, {pipeline_mode = #tpu.pipeline_mode<synchronous>, transform_indices = @transform_8, window_bounds = array<i64: 1, 256>}, {transform_indices = @transform_9, window_bounds = array<i64: 1000, 256>}, {transform_indices = @transform_10, window_bounds = array<i64: 2, 1000, 128>}, {transform_indices = @transform_11, window_bounds = array<i64: 1000, 256>}, {transform_indices = @transform_12, window_bounds = array<i64: 1000, 256>}]} {
    %get3A = arith.constant 0 : index
    %get3A_0 = arith.constant 0 : index
    %get3A_1 = vector.load %arg1[%get3A, %get3A_0] : memref<1000x256xf32, #tpu.memory_space<vmem>>, vector<1000x256xf32>
    %get3A_2 = arith.constant 0 : index
    %get3A_3 = arith.constant 0 : index
    %get3A_4 = vector.load %arg2[%get3A_2, %get3A_3] : memref<256x256xf32, #tpu.memory_space<vmem>>, vector<256x256xf32>
    %dot_general3A = arith.constant dense<0.000000e+00> : vector<1000x256xf32>
    %dot_general3A_5 = tpu.matmul %get3A_1, %get3A_4, %dot_general3A {dimension_numbers = #tpu.dot_dimension_numbers<[1], [0], [0], [1], [0, 0, 1, 1], [], []>, transpose_lhs_hint = false} : vector<1000x256xf32>, vector<256x256xf32>, vector<1000x256xf32> -> vector<1000x256xf32>
    %get3A_6 = arith.constant 0 : index
    %get3A_7 = arith.constant 0 : index
    %get3A_8 = vector.load %arg3[%get3A_6, %get3A_7] : memref<1x256xf32, #tpu.memory_space<vmem>>, vector<1x256xf32>
    %add3A = vector.broadcast %get3A_8 : vector<1x256xf32> to vector<1000x256xf32>
    %add3A_9 = arith.addf %dot_general3A_5, %add3A : vector<1000x256xf32>
    %swap3A = arith.constant 0 : index
    %swap3A_10 = arith.constant 0 : index
    %swap3A_11 = vector.load %arg10[%swap3A, %swap3A_10] : memref<1000x256xf32, #tpu.memory_space<vmem>>, vector<1000x256xf32>
    tpu.vector_store %arg10[%swap3A, %swap3A_10], %add3A_9 {strides = array<i32>} : memref<1000x256xf32, #tpu.memory_space<vmem>>, vector<1000x256xf32>,
    %get3A_12 = arith.constant 0 : index
    %get3A_13 = arith.constant 0 : index
    %get3A_14 = vector.load %arg4[%get3A_12, %get3A_13] : memref<256x256xf32, #tpu.memory_space<vmem>>, vector<256x256xf32>
    %dot_general3A_15 = arith.constant dense<0.000000e+00> : vector<1000x256xf32>
    %dot_general3A_16 = tpu.matmul %get3A_1, %get3A_14, %dot_general3A_15 {dimension_numbers = #tpu.dot_dimension_numbers<[1], [0], [0], [1], [0, 0, 1, 1], [], []>, transpose_lhs_hint = false} : vector<1000x256xf32>, vector<256x256xf32>, vector<1000x256xf32> -> vector<1000x256xf32>
    %get3A_17 = arith.constant 0 : index
    %get3A_18 = arith.constant 0 : index
    %get3A_19 = vector.load %arg5[%get3A_17, %get3A_18] : memref<1x256xf32, #tpu.memory_space<vmem>>, vector<1x256xf32>
    %add3A_20 = vector.broadcast %get3A_19 : vector<1x256xf32> to vector<1000x256xf32>
    %add3A_21 = arith.addf %dot_general3A_16, %add3A_20 : vector<1000x256xf32>
    %slice3A = vector.extract_strided_slice %add3A_21 {offsets = [0, 0], sizes = [1000, 128], strides = [1, 1]} : vector<1000x256xf32> to vector<1000x128xf32>
    %swap3A_22 = arith.constant 0 : index
    %swap3A_23 = arith.constant 0 : index
    %swap3A_24 = arith.constant 0 : index
    %swap3A_25 = vector.load %arg11[%swap3A_22, %swap3A_23, %swap3A_24] : memref<2x1000x128xf32, #tpu.memory_space<vmem>>, vector<1x1000x128xf32>
    %swap3A_26 = vector.shape_cast %swap3A_25 : vector<1x1000x128xf32> to vector<1000x128xf32>
    %swap3A_27 = vector.shape_cast %slice3A : vector<1000x128xf32> to vector<1x1000x128xf32>
    tpu.vector_store %arg11[%swap3A_22, %swap3A_23, %swap3A_24], %swap3A_27 {strides = array<i32>} : memref<2x1000x128xf32, #tpu.memory_space<vmem>>, vector<1x1000x128xf32>,
    %slice3A_28 = vector.extract_strided_slice %add3A_21 {offsets = [0, 128], sizes = [1000, 128], strides = [1, 1]} : vector<1000x256xf32> to vector<1000x128xf32>
    %swap3A_29 = arith.constant 1 : index
    %swap3A_30 = arith.constant 0 : index
    %swap3A_31 = arith.constant 0 : index
    %swap3A_32 = vector.load %arg11[%swap3A_29, %swap3A_30, %swap3A_31] : memref<2x1000x128xf32, #tpu.memory_space<vmem>>, vector<1x1000x128xf32>
    %swap3A_33 = vector.shape_cast %swap3A_32 : vector<1x1000x128xf32> to vector<1000x128xf32>
    %swap3A_34 = vector.shape_cast %slice3A_28 : vector<1000x128xf32> to vector<1x1000x128xf32>
    tpu.vector_store %arg11[%swap3A_29, %swap3A_30, %swap3A_31], %swap3A_34 {strides = array<i32>} : memref<2x1000x128xf32, #tpu.memory_space<vmem>>, vector<1x1000x128xf32>,
    %get3A_35 = arith.constant 0 : index
    %get3A_36 = arith.constant 0 : index
    %get3A_37 = vector.load %arg6[%get3A_35, %get3A_36] : memref<256x256xf32, #tpu.memory_space<vmem>>, vector<256x256xf32>
    %dot_general3A_38 = arith.constant dense<0.000000e+00> : vector<1000x256xf32>
    %dot_general3A_39 = tpu.matmul %get3A_1, %get3A_37, %dot_general3A_38 {dimension_numbers = #tpu.dot_dimension_numbers<[1], [0], [0], [1], [0, 0, 1, 1], [], []>, transpose_lhs_hint = false} : vector<1000x256xf32>, vector<256x256xf32>, vector<1000x256xf32> -> vector<1000x256xf32>
    %get3A_40 = arith.constant 0 : index
    %get3A_41 = arith.constant 0 : index
    %get3A_42 = vector.load %arg7[%get3A_40, %get3A_41] : memref<1x256xf32, #tpu.memory_space<vmem>>, vector<1x256xf32>
    %add3A_43 = vector.broadcast %get3A_42 : vector<1x256xf32> to vector<1000x256xf32>
    %add3A_44 = arith.addf %dot_general3A_39, %add3A_43 : vector<1000x256xf32>
    %swap3A_45 = arith.constant 0 : index
    %swap3A_46 = arith.constant 0 : index
    %swap3A_47 = vector.load %arg12[%swap3A_45, %swap3A_46] : memref<1000x256xf32, #tpu.memory_space<vmem>>, vector<1000x256xf32>
    tpu.vector_store %arg12[%swap3A_45, %swap3A_46], %add3A_44 {strides = array<i32>} : memref<1000x256xf32, #tpu.memory_space<vmem>>, vector<1000x256xf32>,
    %get3A_48 = arith.constant 0 : index
    %get3A_49 = arith.constant 0 : index
    %get3A_50 = vector.load %arg8[%get3A_48, %get3A_49] : memref<256x256xf32, #tpu.memory_space<vmem>>, vector<256x256xf32>
    %dot_general3A_51 = arith.constant dense<0.000000e+00> : vector<1000x256xf32>
    %dot_general3A_52 = tpu.matmul %get3A_1, %get3A_50, %dot_general3A_51 {dimension_numbers = #tpu.dot_dimension_numbers<[1], [0], [0], [1], [0, 0, 1, 1], [], []>, transpose_lhs_hint = false} : vector<1000x256xf32>, vector<256x256xf32>, vector<1000x256xf32> -> vector<1000x256xf32>
    %get3A_53 = arith.constant 0 : index
    %get3A_54 = arith.constant 0 : index
    %get3A_55 = vector.load %arg9[%get3A_53, %get3A_54] : memref<1x256xf32, #tpu.memory_space<vmem>>, vector<1x256xf32>
    %add3A_56 = vector.broadcast %get3A_55 : vector<1x256xf32> to vector<1000x256xf32>
    %add3A_57 = arith.addf %dot_general3A_52, %add3A_56 : vector<1000x256xf32>
    %swap3A_58 = arith.constant 0 : index
    %swap3A_59 = arith.constant 0 : index
    %swap3A_60 = vector.load %arg13[%swap3A_58, %swap3A_59] : memref<1000x256xf32, #tpu.memory_space<vmem>>, vector<1000x256xf32>
    tpu.vector_store %arg13[%swap3A_58, %swap3A_59], %add3A_57 {strides = array<i32>} : memref<1000x256xf32, #tpu.memory_space<vmem>>, vector<1000x256xf32>,
    return
  }
  func.func @transform_0(%arg0: i32) -> (i32, i32) {
    %c0_i32 = arith.constant 0 : i32
    %c0_i32_0 = arith.constant 0 : i32
    return %arg0, %c0_i32 : i32, i32
  }
  func.func @transform_1(%arg0: i32) -> (i32, i32) {
    %c0_i32 = arith.constant 0 : i32
    %c0_i32_0 = arith.constant 0 : i32
    %c0_i32_1 = arith.constant 0 : i32
    return %c0_i32, %c0_i32_0 : i32, i32
  }
  func.func @transform_2(%arg0: i32) -> (i32, i32) {
    %c0_i32 = arith.constant 0 : i32
    %c0_i32_0 = arith.constant 0 : i32
    %c0_i32_1 = arith.constant 0 : i32
    return %c0_i32, %c0_i32_0 : i32, i32
  }
  func.func @transform_3(%arg0: i32) -> (i32, i32) {
    %c0_i32 = arith.constant 0 : i32
    %c0_i32_0 = arith.constant 0 : i32
    %c0_i32_1 = arith.constant 0 : i32
    return %c0_i32, %c0_i32_0 : i32, i32
  }
  func.func @transform_4(%arg0: i32) -> (i32, i32) {
    %c0_i32 = arith.constant 0 : i32
    %c0_i32_0 = arith.constant 0 : i32
    %c0_i32_1 = arith.constant 0 : i32
    return %c0_i32, %c0_i32_0 : i32, i32
  }
  func.func @transform_5(%arg0: i32) -> (i32, i32) {
    %c0_i32 = arith.constant 0 : i32
    %c0_i32_0 = arith.constant 0 : i32
    %c0_i32_1 = arith.constant 0 : i32
    return %c0_i32, %c0_i32_0 : i32, i32
  }
  func.func @transform_6(%arg0: i32) -> (i32, i32) {
    %c0_i32 = arith.constant 0 : i32
    %c0_i32_0 = arith.constant 0 : i32
    %c0_i32_1 = arith.constant 0 : i32
    return %c0_i32, %c0_i32_0 : i32, i32
  }
  func.func @transform_7(%arg0: i32) -> (i32, i32) {
    %c0_i32 = arith.constant 0 : i32
    %c0_i32_0 = arith.constant 0 : i32
    %c0_i32_1 = arith.constant 0 : i32
    return %c0_i32, %c0_i32_0 : i32, i32
  }
  func.func @transform_8(%arg0: i32) -> (i32, i32) {
    %c0_i32 = arith.constant 0 : i32
    %c0_i32_0 = arith.constant 0 : i32
    %c0_i32_1 = arith.constant 0 : i32
    return %c0_i32, %c0_i32_0 : i32, i32
  }
  func.func @transform_9(%arg0: i32) -> (i32, i32) {
    %c0_i32 = arith.constant 0 : i32
    %c0_i32_0 = arith.constant 0 : i32
    return %arg0, %c0_i32 : i32, i32
  }
  func.func @transform_10(%arg0: i32) -> (i32, i32, i32) {
    %c0_i32 = arith.constant 0 : i32
    %c0_i32_0 = arith.constant 0 : i32
    %c0_i32_1 = arith.constant 0 : i32
    return %c0_i32, %arg0, %c0_i32_0 : i32, i32, i32
  }
  func.func @transform_11(%arg0: i32) -> (i32, i32) {
    %c0_i32 = arith.constant 0 : i32
    %c0_i32_0 = arith.constant 0 : i32
    return %arg0, %c0_i32 : i32, i32
  }
  func.func @transform_12(%arg0: i32) -> (i32, i32) {
    %c0_i32 = arith.constant 0 : i32
    %c0_i32_0 = arith.constant 0 : i32
    return %arg0, %c0_i32 : i32, i32
  }
}

module attributes {stable_mosaic.version = 14 : i64} {
  func.func @_edge_mm_body(%arg0: i32, %arg1: memref<2000x256xf32, #tpu.memory_space<vmem>>, %arg2: memref<256x256xf32, #tpu.memory_space<vmem>>, %arg3: memref<1x256xf32, #tpu.memory_space<vmem>>, %arg4: memref<2000x256xf32, #tpu.memory_space<vmem>>, %arg5: memref<2x2000x128xf32, #tpu.memory_space<vmem>>) attributes {dimension_semantics = [#tpu.dimension_semantics<arbitrary>], iteration_bounds = array<i64: 80>, scalar_prefetch = 0 : i64, scratch_operands = 0 : i64, tpu.core_type = #tpu.core_type<tc>, window_params = [{transform_indices = @transform_0, window_bounds = array<i64: 2000, 256>}, {pipeline_mode = #tpu.pipeline_mode<synchronous>, transform_indices = @transform_1, window_bounds = array<i64: 256, 256>}, {pipeline_mode = #tpu.pipeline_mode<synchronous>, transform_indices = @transform_2, window_bounds = array<i64: 1, 256>}, {transform_indices = @transform_3, window_bounds = array<i64: 2000, 256>}, {transform_indices = @transform_4, window_bounds = array<i64: 2, 2000, 128>}]} {
    %get3A = arith.constant 0 : index
    %get3A_0 = arith.constant 0 : index
    %get3A_1 = vector.load %arg1[%get3A, %get3A_0] : memref<2000x256xf32, #tpu.memory_space<vmem>>, vector<2000x256xf32>
    %get3A_2 = arith.constant 0 : index
    %get3A_3 = arith.constant 0 : index
    %get3A_4 = vector.load %arg2[%get3A_2, %get3A_3] : memref<256x256xf32, #tpu.memory_space<vmem>>, vector<256x256xf32>
    %dot_general3A = arith.constant dense<0.000000e+00> : vector<2000x256xf32>
    %dot_general3A_5 = tpu.matmul %get3A_1, %get3A_4, %dot_general3A {dimension_numbers = #tpu.dot_dimension_numbers<[1], [0], [0], [1], [0, 0, 1, 1], [], []>, transpose_lhs_hint = false} : vector<2000x256xf32>, vector<256x256xf32>, vector<2000x256xf32> -> vector<2000x256xf32>
    %get3A_6 = arith.constant 0 : index
    %get3A_7 = arith.constant 0 : index
    %get3A_8 = vector.load %arg3[%get3A_6, %get3A_7] : memref<1x256xf32, #tpu.memory_space<vmem>>, vector<1x256xf32>
    %add3A = vector.broadcast %get3A_8 : vector<1x256xf32> to vector<2000x256xf32>
    %add3A_9 = arith.addf %dot_general3A_5, %add3A : vector<2000x256xf32>
    %swap3A = arith.constant 0 : index
    %swap3A_10 = arith.constant 0 : index
    %swap3A_11 = vector.load %arg4[%swap3A, %swap3A_10] : memref<2000x256xf32, #tpu.memory_space<vmem>>, vector<2000x256xf32>
    tpu.vector_store %arg4[%swap3A, %swap3A_10], %add3A_9 {strides = array<i32>} : memref<2000x256xf32, #tpu.memory_space<vmem>>, vector<2000x256xf32>,
    %logistic3A = arith.negf %get3A_1 : vector<2000x256xf32>
    %logistic3A_12 = math.exp %logistic3A : vector<2000x256xf32>
    %logistic3A_13 = arith.constant 1.000000e+00 : f32
    %logistic3A_14 = vector.broadcast %logistic3A_13 : f32 to vector<2000x256xf32>
    %logistic3A_15 = arith.addf %logistic3A_14, %logistic3A_12 : vector<2000x256xf32>
    %logistic3A_16 = arith.divf %logistic3A_14, %logistic3A_15 : vector<2000x256xf32>
    %slice3A = vector.extract_strided_slice %logistic3A_16 {offsets = [0, 0], sizes = [2000, 128], strides = [1, 1]} : vector<2000x256xf32> to vector<2000x128xf32>
    %swap3A_17 = arith.constant 0 : index
    %swap3A_18 = arith.constant 0 : index
    %swap3A_19 = arith.constant 0 : index
    %swap3A_20 = vector.load %arg5[%swap3A_17, %swap3A_18, %swap3A_19] : memref<2x2000x128xf32, #tpu.memory_space<vmem>>, vector<1x2000x128xf32>
    %swap3A_21 = vector.shape_cast %swap3A_20 : vector<1x2000x128xf32> to vector<2000x128xf32>
    %swap3A_22 = vector.shape_cast %slice3A : vector<2000x128xf32> to vector<1x2000x128xf32>
    tpu.vector_store %arg5[%swap3A_17, %swap3A_18, %swap3A_19], %swap3A_22 {strides = array<i32>} : memref<2x2000x128xf32, #tpu.memory_space<vmem>>, vector<1x2000x128xf32>,
    %slice3A_23 = vector.extract_strided_slice %logistic3A_16 {offsets = [0, 128], sizes = [2000, 128], strides = [1, 1]} : vector<2000x256xf32> to vector<2000x128xf32>
    %swap3A_24 = arith.constant 1 : index
    %swap3A_25 = arith.constant 0 : index
    %swap3A_26 = arith.constant 0 : index
    %swap3A_27 = vector.load %arg5[%swap3A_24, %swap3A_25, %swap3A_26] : memref<2x2000x128xf32, #tpu.memory_space<vmem>>, vector<1x2000x128xf32>
    %swap3A_28 = vector.shape_cast %swap3A_27 : vector<1x2000x128xf32> to vector<2000x128xf32>
    %swap3A_29 = vector.shape_cast %slice3A_23 : vector<2000x128xf32> to vector<1x2000x128xf32>
    tpu.vector_store %arg5[%swap3A_24, %swap3A_25, %swap3A_26], %swap3A_29 {strides = array<i32>} : memref<2x2000x128xf32, #tpu.memory_space<vmem>>, vector<1x2000x128xf32>,
    return
  }
  func.func @transform_0(%arg0: i32) -> (i32, i32) {
    %c0_i32 = arith.constant 0 : i32
    %c0_i32_0 = arith.constant 0 : i32
    return %arg0, %c0_i32 : i32, i32
  }
  func.func @transform_1(%arg0: i32) -> (i32, i32) {
    %c0_i32 = arith.constant 0 : i32
    %c0_i32_0 = arith.constant 0 : i32
    %c0_i32_1 = arith.constant 0 : i32
    return %c0_i32, %c0_i32_0 : i32, i32
  }
  func.func @transform_2(%arg0: i32) -> (i32, i32) {
    %c0_i32 = arith.constant 0 : i32
    %c0_i32_0 = arith.constant 0 : i32
    %c0_i32_1 = arith.constant 0 : i32
    return %c0_i32, %c0_i32_0 : i32, i32
  }
  func.func @transform_3(%arg0: i32) -> (i32, i32) {
    %c0_i32 = arith.constant 0 : i32
    %c0_i32_0 = arith.constant 0 : i32
    return %arg0, %c0_i32 : i32, i32
  }
  func.func @transform_4(%arg0: i32) -> (i32, i32, i32) {
    %c0_i32 = arith.constant 0 : i32
    %c0_i32_0 = arith.constant 0 : i32
    %c0_i32_1 = arith.constant 0 : i32
    return %c0_i32, %arg0, %c0_i32_0 : i32, i32, i32
  }
}

module attributes {stable_mosaic.version = 14 : i64} {
  func.func @_cnt_inv_body(%arg0: memref<2x10000x128xf32, #tpu.memory_space<vmem>>, %arg1: memref<10000x1xf32, #tpu.memory_space<vmem>>) attributes {dimension_semantics = [], scalar_prefetch = 0 : i64, scratch_operands = 0 : i64, tpu.core_type = #tpu.core_type<tc>} {
    %broadcast_in_dim3A = arith.constant 1.000000e+00 : f32
    %broadcast_in_dim3A_0 = vector.broadcast %broadcast_in_dim3A : f32 to vector<128x1xf32>
    %get3A = arith.constant 0 : index
    %get3A_1 = arith.constant 0 : index
    %get3A_2 = arith.constant 0 : index
    %get3A_3 = vector.load %arg0[%get3A, %get3A_1, %get3A_2] : memref<2x10000x128xf32, #tpu.memory_space<vmem>>, vector<1x10000x128xf32>
    %get3A_4 = vector.shape_cast %get3A_3 : vector<1x10000x128xf32> to vector<10000x128xf32>
    %get3A_5 = arith.constant 1 : index
    %get3A_6 = arith.constant 0 : index
    %get3A_7 = arith.constant 0 : index
    %get3A_8 = vector.load %arg0[%get3A_5, %get3A_6, %get3A_7] : memref<2x10000x128xf32, #tpu.memory_space<vmem>>, vector<1x10000x128xf32>
    %get3A_9 = vector.shape_cast %get3A_8 : vector<1x10000x128xf32> to vector<10000x128xf32>
    %add3A = arith.addf %get3A_4, %get3A_9 : vector<10000x128xf32>
    %dot_general3A = arith.constant dense<0.000000e+00> : vector<10000x1xf32>
    %dot_general3A_10 = tpu.matmul %add3A, %broadcast_in_dim3A_0, %dot_general3A {dimension_numbers = #tpu.dot_dimension_numbers<[1], [0], [0], [1], [0, 0, 1, 1], [], []>, transpose_lhs_hint = false} : vector<10000x128xf32>, vector<128x1xf32>, vector<10000x1xf32> -> vector<10000x1xf32>
    %max3A = arith.constant 1.000000e+00 : f32
    %max3A_11 = vector.broadcast %max3A : f32 to vector<10000x1xf32>
    %max3A_12 = arith.maximumf %dot_general3A_10, %max3A_11 : vector<10000x1xf32>
    %div3A = arith.constant 1.000000e+00 : f32
    %div3A_13 = vector.broadcast %div3A : f32 to vector<10000x1xf32>
    %div3A_14 = arith.divf %div3A_13, %max3A_12 : vector<10000x1xf32>
    %swap3A = arith.constant 0 : index
    %swap3A_15 = arith.constant 0 : index
    %swap3A_16 = vector.load %arg1[%swap3A, %swap3A_15] : memref<10000x1xf32, #tpu.memory_space<vmem>>, vector<10000x1xf32>
    tpu.vector_store %arg1[%swap3A, %swap3A_15], %div3A_14 {strides = array<i32>} : memref<10000x1xf32, #tpu.memory_space<vmem>>, vector<10000x1xf32>,
    return
  }
}

module attributes {stable_mosaic.version = 14 : i64} {
  func.func @_tv_stats_body(%arg0: i32, %arg1: memref<1000x256xf32, #tpu.memory_space<vmem>>, %arg2: memref<2x1000x128xf32, #tpu.memory_space<vmem>>, %arg3: memref<1000x1xf32, #tpu.memory_space<vmem>>, %arg4: memref<1000x256xf32, #tpu.memory_space<vmem>>, %arg5: memref<1x256xf32, #tpu.memory_space<vmem>>, %arg6: memref<1x256xf32, #tpu.memory_space<vmem>>) attributes {dimension_semantics = [#tpu.dimension_semantics<arbitrary>], iteration_bounds = array<i64: 10>, scalar_prefetch = 0 : i64, scratch_operands = 0 : i64, tpu.core_type = #tpu.core_type<tc>, window_params = [{transform_indices = @transform_0, window_bounds = array<i64: 1000, 256>}, {transform_indices = @transform_1, window_bounds = array<i64: 2, 1000, 128>}, {transform_indices = @transform_2, window_bounds = array<i64: 1000, 1>}, {transform_indices = @transform_3, window_bounds = array<i64: 1000, 256>}, {pipeline_mode = #tpu.pipeline_mode<synchronous>, transform_indices = @transform_4, window_bounds = array<i64: 1, 256>}, {pipeline_mode = #tpu.pipeline_mode<synchronous>, transform_indices = @transform_5, window_bounds = array<i64: 1, 256>}]} {
    %get3A = arith.constant 0 : index
    %get3A_0 = arith.constant 0 : index
    %get3A_1 = arith.constant 0 : index
    %get3A_2 = vector.load %arg2[%get3A, %get3A_0, %get3A_1] : memref<2x1000x128xf32, #tpu.memory_space<vmem>>, vector<1x1000x128xf32>
    %get3A_3 = vector.shape_cast %get3A_2 : vector<1x1000x128xf32> to vector<1000x128xf32>
    %get3A_4 = arith.constant 1 : index
    %get3A_5 = arith.constant 0 : index
    %get3A_6 = arith.constant 0 : index
    %get3A_7 = vector.load %arg2[%get3A_4, %get3A_5, %get3A_6] : memref<2x1000x128xf32, #tpu.memory_space<vmem>>, vector<1x1000x128xf32>
    %get3A_8 = vector.shape_cast %get3A_7 : vector<1x1000x128xf32> to vector<1000x128xf32>
    %concatenate3A = tpu.concatenate %get3A_3, %get3A_8 in 1 : vector<1000x128xf32>, vector<1000x128xf32> -> vector<1000x256xf32>
    %get3A_9 = arith.constant 0 : index
    %get3A_10 = arith.constant 0 : index
    %get3A_11 = vector.load %arg3[%get3A_9, %get3A_10] : memref<1000x1xf32, #tpu.memory_space<vmem>>, vector<1000x1xf32>
    %mul3A = vector.broadcast %get3A_11 : vector<1000x1xf32> to vector<1000x256xf32>
    %mul3A_12 = arith.mulf %concatenate3A, %mul3A : vector<1000x256xf32>
    %get3A_13 = arith.constant 0 : index
    %get3A_14 = arith.constant 0 : index
    %get3A_15 = vector.load %arg1[%get3A_13, %get3A_14] : memref<1000x256xf32, #tpu.memory_space<vmem>>, vector<1000x256xf32>
    %add3A = arith.addf %get3A_15, %mul3A_12 : vector<1000x256xf32>
    %swap3A = arith.constant 0 : index
    %swap3A_16 = arith.constant 0 : index
    %swap3A_17 = vector.load %arg4[%swap3A, %swap3A_16] : memref<1000x256xf32, #tpu.memory_space<vmem>>, vector<1000x256xf32>
    tpu.vector_store %arg4[%swap3A, %swap3A_16], %add3A {strides = array<i32>} : memref<1000x256xf32, #tpu.memory_space<vmem>>, vector<1000x256xf32>,
    %reduce_sum3A = arith.constant dense<0.000000e+00> : vector<256xf32>
    %reduce_sum3A_18 = vector.multi_reduction <add>, %add3A, %reduce_sum3A [0] : vector<1000x256xf32> to vector<256xf32>
    %broadcast_in_dim3A = vector.shape_cast %reduce_sum3A_18 : vector<256xf32> to vector<1x256xf32>
    %mul3A_19 = arith.mulf %add3A, %add3A : vector<1000x256xf32>
    %reduce_sum3A_20 = arith.constant dense<0.000000e+00> : vector<256xf32>
    %reduce_sum3A_21 = vector.multi_reduction <add>, %mul3A_19, %reduce_sum3A_20 [0] : vector<1000x256xf32> to vector<256xf32>
    %broadcast_in_dim3A_22 = vector.shape_cast %reduce_sum3A_21 : vector<256xf32> to vector<1x256xf32>
    %eq3A = arith.constant 0 : i32
    %eq3A_23 = arith.cmpi eq, %arg0, %eq3A : i32
    %convert_element_type3A = arith.extui %eq3A_23 : i1 to i32
    %cond3A = arith.constant 0 : i32
    %cond3A_24 = arith.cmpi ne, %convert_element_type3A, %cond3A : i32
    scf.if %cond3A_24 {
      %swap3A_29 = arith.constant 0 : index
      %swap3A_30 = arith.constant 0 : index
      %swap3A_31 = vector.load %arg5[%swap3A_29, %swap3A_30] : memref<1x256xf32, #tpu.memory_space<vmem>>, vector<1x256xf32>
      tpu.vector_store %arg5[%swap3A_29, %swap3A_30], %broadcast_in_dim3A {strides = array<i32>} : memref<1x256xf32, #tpu.memory_space<vmem>>, vector<1x256xf32>,
      %swap3A_32 = arith.constant 0 : index
      %swap3A_33 = arith.constant 0 : index
      %swap3A_34 = vector.load %arg6[%swap3A_32, %swap3A_33] : memref<1x256xf32, #tpu.memory_space<vmem>>, vector<1x256xf32>
      tpu.vector_store %arg6[%swap3A_32, %swap3A_33], %broadcast_in_dim3A_22 {strides = array<i32>} : memref<1x256xf32, #tpu.memory_space<vmem>>, vector<1x256xf32>,
    } else {
    }
    %gt3A = arith.constant 0 : i32
    %gt3A_25 = arith.cmpi sgt, %arg0, %gt3A : i32
    %convert_element_type3A_26 = arith.extui %gt3A_25 : i1 to i32
    %cond3A_27 = arith.constant 0 : i32
    %cond3A_28 = arith.cmpi ne, %convert_element_type3A_26, %cond3A_27 : i32
    scf.if %cond3A_28 {
      %get3A_29 = arith.constant 0 : index
      %get3A_30 = arith.constant 0 : index
      %get3A_31 = vector.load %arg5[%get3A_29, %get3A_30] : memref<1x256xf32, #tpu.memory_space<vmem>>, vector<1x256xf32>
      %add3A_32 = arith.addf %get3A_31, %broadcast_in_dim3A : vector<1x256xf32>
      %swap3A_33 = arith.constant 0 : index
      %swap3A_34 = arith.constant 0 : index
      %swap3A_35 = vector.load %arg5[%swap3A_33, %swap3A_34] : memref<1x256xf32, #tpu.memory_space<vmem>>, vector<1x256xf32>
      tpu.vector_store %arg5[%swap3A_33, %swap3A_34], %add3A_32 {strides = array<i32>} : memref<1x256xf32, #tpu.memory_space<vmem>>, vector<1x256xf32>,
      %get3A_36 = arith.constant 0 : index
      %get3A_37 = arith.constant 0 : index
      %get3A_38 = vector.load %arg6[%get3A_36, %get3A_37] : memref<1x256xf32, #tpu.memory_space<vmem>>, vector<1x256xf32>
      %add3A_39 = arith.addf %get3A_38, %broadcast_in_dim3A_22 : vector<1x256xf32>
      %swap3A_40 = arith.constant 0 : index
      %swap3A_41 = arith.constant 0 : index
      %swap3A_42 = vector.load %arg6[%swap3A_40, %swap3A_41] : memref<1x256xf32, #tpu.memory_space<vmem>>, vector<1x256xf32>
      tpu.vector_store %arg6[%swap3A_40, %swap3A_41], %add3A_39 {strides = array<i32>} : memref<1x256xf32, #tpu.memory_space<vmem>>, vector<1x256xf32>,
    } else {
    }
    return
  }
  func.func @transform_0(%arg0: i32) -> (i32, i32) {
    %c0_i32 = arith.constant 0 : i32
    %c0_i32_0 = arith.constant 0 : i32
    return %arg0, %c0_i32 : i32, i32
  }
  func.func @transform_1(%arg0: i32) -> (i32, i32, i32) {
    %c0_i32 = arith.constant 0 : i32
    %c0_i32_0 = arith.constant 0 : i32
    %c0_i32_1 = arith.constant 0 : i32
    return %c0_i32, %arg0, %c0_i32_0 : i32, i32, i32
  }
  func.func @transform_2(%arg0: i32) -> (i32, i32) {
    %c0_i32 = arith.constant 0 : i32
    %c0_i32_0 = arith.constant 0 : i32
    return %arg0, %c0_i32 : i32, i32
  }
  func.func @transform_3(%arg0: i32) -> (i32, i32) {
    %c0_i32 = arith.constant 0 : i32
    %c0_i32_0 = arith.constant 0 : i32
    return %arg0, %c0_i32 : i32, i32
  }
  func.func @transform_4(%arg0: i32) -> (i32, i32) {
    %c0_i32 = arith.constant 0 : i32
    %c0_i32_0 = arith.constant 0 : i32
    %c0_i32_1 = arith.constant 0 : i32
    return %c0_i32, %c0_i32_0 : i32, i32
  }
  func.func @transform_5(%arg0: i32) -> (i32, i32) {
    %c0_i32 = arith.constant 0 : i32
    %c0_i32_0 = arith.constant 0 : i32
    %c0_i32_1 = arith.constant 0 : i32
    return %c0_i32, %c0_i32_0 : i32, i32
  }
}

module attributes {stable_mosaic.version = 14 : i64} {
  func.func @_bn_silu_res_body(%arg0: i32, %arg1: memref<1000x256xf32, #tpu.memory_space<vmem>>, %arg2: memref<1000x256xf32, #tpu.memory_space<vmem>>, %arg3: memref<1x256xf32, #tpu.memory_space<vmem>>, %arg4: memref<1x256xf32, #tpu.memory_space<vmem>>, %arg5: memref<1x256xf32, #tpu.memory_space<vmem>>, %arg6: memref<1x256xf32, #tpu.memory_space<vmem>>, %arg7: memref<1000x256xf32, #tpu.memory_space<vmem>>) attributes {dimension_semantics = [#tpu.dimension_semantics<arbitrary>], iteration_bounds = array<i64: 10>, scalar_prefetch = 0 : i64, scratch_operands = 0 : i64, tpu.core_type = #tpu.core_type<tc>, window_params = [{transform_indices = @transform_0, window_bounds = array<i64: 1000, 256>}, {transform_indices = @transform_1, window_bounds = array<i64: 1000, 256>}, {pipeline_mode = #tpu.pipeline_mode<synchronous>, transform_indices = @transform_2, window_bounds = array<i64: 1, 256>}, {pipeline_mode = #tpu.pipeline_mode<synchronous>, transform_indices = @transform_3, window_bounds = array<i64: 1, 256>}, {pipeline_mode = #tpu.pipeline_mode<synchronous>, transform_indices = @transform_4, window_bounds = array<i64: 1, 256>}, {pipeline_mode = #tpu.pipeline_mode<synchronous>, transform_indices = @transform_5, window_bounds = array<i64: 1, 256>}, {transform_indices = @transform_6, window_bounds = array<i64: 1000, 256>}]} {
    %get3A = arith.constant 0 : index
    %get3A_0 = arith.constant 0 : index
    %get3A_1 = vector.load %arg3[%get3A, %get3A_0] : memref<1x256xf32, #tpu.memory_space<vmem>>, vector<1x256xf32>
    %div3A = arith.constant 1.000000e+04 : f32
    %div3A_2 = vector.broadcast %div3A : f32 to vector<1x256xf32>
    %div3A_3 = arith.divf %get3A_1, %div3A_2 : vector<1x256xf32>
    %get3A_4 = arith.constant 0 : index
    %get3A_5 = arith.constant 0 : index
    %get3A_6 = vector.load %arg4[%get3A_4, %get3A_5] : memref<1x256xf32, #tpu.memory_space<vmem>>, vector<1x256xf32>
    %div3A_7 = arith.constant 1.000000e+04 : f32
    %div3A_8 = vector.broadcast %div3A_7 : f32 to vector<1x256xf32>
    %div3A_9 = arith.divf %get3A_6, %div3A_8 : vector<1x256xf32>
    %mul3A = arith.mulf %div3A_3, %div3A_3 : vector<1x256xf32>
    %sub3A = arith.subf %div3A_9, %mul3A : vector<1x256xf32>
    %get3A_10 = arith.constant 0 : index
    %get3A_11 = arith.constant 0 : index
    %get3A_12 = vector.load %arg5[%get3A_10, %get3A_11] : memref<1x256xf32, #tpu.memory_space<vmem>>, vector<1x256xf32>
    %add3A = arith.constant 9.99999974E-6 : f32
    %add3A_13 = vector.broadcast %add3A : f32 to vector<1x256xf32>
    %add3A_14 = arith.addf %sub3A, %add3A_13 : vector<1x256xf32>
    %sqrt3A = math.sqrt %add3A_14 : vector<1x256xf32>
    %div3A_15 = arith.divf %get3A_12, %sqrt3A : vector<1x256xf32>
    %get3A_16 = arith.constant 0 : index
    %get3A_17 = arith.constant 0 : index
    %get3A_18 = vector.load %arg1[%get3A_16, %get3A_17] : memref<1000x256xf32, #tpu.memory_space<vmem>>, vector<1000x256xf32>
    %sub3A_19 = vector.broadcast %div3A_3 : vector<1x256xf32> to vector<1000x256xf32>
    %sub3A_20 = arith.subf %get3A_18, %sub3A_19 : vector<1000x256xf32>
    %mul3A_21 = vector.broadcast %div3A_15 : vector<1x256xf32> to vector<1000x256xf32>
    %mul3A_22 = arith.mulf %sub3A_20, %mul3A_21 : vector<1000x256xf32>
    %get3A_23 = arith.constant 0 : index
    %get3A_24 = arith.constant 0 : index
    %get3A_25 = vector.load %arg6[%get3A_23, %get3A_24] : memref<1x256xf32, #tpu.memory_space<vmem>>, vector<1x256xf32>
    %add3A_26 = vector.broadcast %get3A_25 : vector<1x256xf32> to vector<1000x256xf32>
    %add3A_27 = arith.addf %mul3A_22, %add3A_26 : vector<1000x256xf32>
    %get3A_28 = arith.constant 0 : index
    %get3A_29 = arith.constant 0 : index
    %get3A_30 = vector.load %arg2[%get3A_28, %get3A_29] : memref<1000x256xf32, #tpu.memory_space<vmem>>, vector<1000x256xf32>
    %logistic3A = arith.negf %add3A_27 : vector<1000x256xf32>
    %logistic3A_31 = math.exp %logistic3A : vector<1000x256xf32>
    %logistic3A_32 = arith.constant 1.000000e+00 : f32
    %logistic3A_33 = vector.broadcast %logistic3A_32 : f32 to vector<1000x256xf32>
    %logistic3A_34 = arith.addf %logistic3A_33, %logistic3A_31 : vector<1000x256xf32>
    %logistic3A_35 = arith.divf %logistic3A_33, %logistic3A_34 : vector<1000x256xf32>
    %mul3A_36 = arith.mulf %add3A_27, %logistic3A_35 : vector<1000x256xf32>
    %add3A_37 = arith.addf %get3A_30, %mul3A_36 : vector<1000x256xf32>
    %swap3A = arith.constant 0 : index
    %swap3A_38 = arith.constant 0 : index
    %swap3A_39 = vector.load %arg7[%swap3A, %swap3A_38] : memref<1000x256xf32, #tpu.memory_space<vmem>>, vector<1000x256xf32>
    tpu.vector_store %arg7[%swap3A, %swap3A_38], %add3A_37 {strides = array<i32>} : memref<1000x256xf32, #tpu.memory_space<vmem>>, vector<1000x256xf32>,
    return
  }
  func.func @transform_0(%arg0: i32) -> (i32, i32) {
    %c0_i32 = arith.constant 0 : i32
    %c0_i32_0 = arith.constant 0 : i32
    return %arg0, %c0_i32 : i32, i32
  }
  func.func @transform_1(%arg0: i32) -> (i32, i32) {
    %c0_i32 = arith.constant 0 : i32
    %c0_i32_0 = arith.constant 0 : i32
    return %arg0, %c0_i32 : i32, i32
  }
  func.func @transform_2(%arg0: i32) -> (i32, i32) {
    %c0_i32 = arith.constant 0 : i32
    %c0_i32_0 = arith.constant 0 : i32
    %c0_i32_1 = arith.constant 0 : i32
    return %c0_i32, %c0_i32_0 : i32, i32
  }
  func.func @transform_3(%arg0: i32) -> (i32, i32) {
    %c0_i32 = arith.constant 0 : i32
    %c0_i32_0 = arith.constant 0 : i32
    %c0_i32_1 = arith.constant 0 : i32
    return %c0_i32, %c0_i32_0 : i32, i32
  }
  func.func @transform_4(%arg0: i32) -> (i32, i32) {
    %c0_i32 = arith.constant 0 : i32
    %c0_i32_0 = arith.constant 0 : i32
    %c0_i32_1 = arith.constant 0 : i32
    return %c0_i32, %c0_i32_0 : i32, i32
  }
  func.func @transform_5(%arg0: i32) -> (i32, i32) {
    %c0_i32 = arith.constant 0 : i32
    %c0_i32_0 = arith.constant 0 : i32
    %c0_i32_1 = arith.constant 0 : i32
    return %c0_i32, %c0_i32_0 : i32, i32
  }
  func.func @transform_6(%arg0: i32) -> (i32, i32) {
    %c0_i32 = arith.constant 0 : i32
    %c0_i32_0 = arith.constant 0 : i32
    return %arg0, %c0_i32 : i32, i32
  }
}

module attributes {stable_mosaic.version = 14 : i64} {
  func.func @_t_stats_body(%arg0: i32, %arg1: memref<2000x256xf32, #tpu.memory_space<vmem>>, %arg2: memref<2000x256xf32, #tpu.memory_space<vmem>>, %arg3: memref<2000x256xf32, #tpu.memory_space<vmem>>, %arg4: memref<1x256xf32, #tpu.memory_space<vmem>>, %arg5: memref<1x256xf32, #tpu.memory_space<vmem>>) attributes {dimension_semantics = [#tpu.dimension_semantics<arbitrary>], iteration_bounds = array<i64: 80>, scalar_prefetch = 0 : i64, scratch_operands = 0 : i64, tpu.core_type = #tpu.core_type<tc>, window_params = [{transform_indices = @transform_0, window_bounds = array<i64: 2000, 256>}, {transform_indices = @transform_1, window_bounds = array<i64: 2000, 256>}, {transform_indices = @transform_2, window_bounds = array<i64: 2000, 256>}, {pipeline_mode = #tpu.pipeline_mode<synchronous>, transform_indices = @transform_3, window_bounds = array<i64: 1, 256>}, {pipeline_mode = #tpu.pipeline_mode<synchronous>, transform_indices = @transform_4, window_bounds = array<i64: 1, 256>}]} {
    %get3A = arith.constant 0 : index
    %get3A_0 = arith.constant 0 : index
    %get3A_1 = vector.load %arg1[%get3A, %get3A_0] : memref<2000x256xf32, #tpu.memory_space<vmem>>, vector<2000x256xf32>
    %get3A_2 = arith.constant 0 : index
    %get3A_3 = arith.constant 0 : index
    %get3A_4 = vector.load %arg2[%get3A_2, %get3A_3] : memref<2000x256xf32, #tpu.memory_space<vmem>>, vector<2000x256xf32>
    %add3A = arith.addf %get3A_1, %get3A_4 : vector<2000x256xf32>
    %swap3A = arith.constant 0 : index
    %swap3A_5 = arith.constant 0 : index
    %swap3A_6 = vector.load %arg3[%swap3A, %swap3A_5] : memref<2000x256xf32, #tpu.memory_space<vmem>>, vector<2000x256xf32>
    tpu.vector_store %arg3[%swap3A, %swap3A_5], %add3A {strides = array<i32>} : memref<2000x256xf32, #tpu.memory_space<vmem>>, vector<2000x256xf32>,
    %reduce_sum3A = arith.constant dense<0.000000e+00> : vector<256xf32>
    %reduce_sum3A_7 = vector.multi_reduction <add>, %add3A, %reduce_sum3A [0] : vector<2000x256xf32> to vector<256xf32>
    %broadcast_in_dim3A = vector.shape_cast %reduce_sum3A_7 : vector<256xf32> to vector<1x256xf32>
    %mul3A = arith.mulf %add3A, %add3A : vector<2000x256xf32>
    %reduce_sum3A_8 = arith.constant dense<0.000000e+00> : vector<256xf32>
    %reduce_sum3A_9 = vector.multi_reduction <add>, %mul3A, %reduce_sum3A_8 [0] : vector<2000x256xf32> to vector<256xf32>
    %broadcast_in_dim3A_10 = vector.shape_cast %reduce_sum3A_9 : vector<256xf32> to vector<1x256xf32>
    %eq3A = arith.constant 0 : i32
    %eq3A_11 = arith.cmpi eq, %arg0, %eq3A : i32
    %convert_element_type3A = arith.extui %eq3A_11 : i1 to i32
    %cond3A = arith.constant 0 : i32
    %cond3A_12 = arith.cmpi ne, %convert_element_type3A, %cond3A : i32
    scf.if %cond3A_12 {
      %swap3A_17 = arith.constant 0 : index
      %swap3A_18 = arith.constant 0 : index
      %swap3A_19 = vector.load %arg4[%swap3A_17, %swap3A_18] : memref<1x256xf32, #tpu.memory_space<vmem>>, vector<1x256xf32>
      tpu.vector_store %arg4[%swap3A_17, %swap3A_18], %broadcast_in_dim3A {strides = array<i32>} : memref<1x256xf32, #tpu.memory_space<vmem>>, vector<1x256xf32>,
      %swap3A_20 = arith.constant 0 : index
      %swap3A_21 = arith.constant 0 : index
      %swap3A_22 = vector.load %arg5[%swap3A_20, %swap3A_21] : memref<1x256xf32, #tpu.memory_space<vmem>>, vector<1x256xf32>
      tpu.vector_store %arg5[%swap3A_20, %swap3A_21], %broadcast_in_dim3A_10 {strides = array<i32>} : memref<1x256xf32, #tpu.memory_space<vmem>>, vector<1x256xf32>,
    } else {
    }
    %gt3A = arith.constant 0 : i32
    %gt3A_13 = arith.cmpi sgt, %arg0, %gt3A : i32
    %convert_element_type3A_14 = arith.extui %gt3A_13 : i1 to i32
    %cond3A_15 = arith.constant 0 : i32
    %cond3A_16 = arith.cmpi ne, %convert_element_type3A_14, %cond3A_15 : i32
    scf.if %cond3A_16 {
      %get3A_17 = arith.constant 0 : index
      %get3A_18 = arith.constant 0 : index
      %get3A_19 = vector.load %arg4[%get3A_17, %get3A_18] : memref<1x256xf32, #tpu.memory_space<vmem>>, vector<1x256xf32>
      %add3A_20 = arith.addf %get3A_19, %broadcast_in_dim3A : vector<1x256xf32>
      %swap3A_21 = arith.constant 0 : index
      %swap3A_22 = arith.constant 0 : index
      %swap3A_23 = vector.load %arg4[%swap3A_21, %swap3A_22] : memref<1x256xf32, #tpu.memory_space<vmem>>, vector<1x256xf32>
      tpu.vector_store %arg4[%swap3A_21, %swap3A_22], %add3A_20 {strides = array<i32>} : memref<1x256xf32, #tpu.memory_space<vmem>>, vector<1x256xf32>,
      %get3A_24 = arith.constant 0 : index
      %get3A_25 = arith.constant 0 : index
      %get3A_26 = vector.load %arg5[%get3A_24, %get3A_25] : memref<1x256xf32, #tpu.memory_space<vmem>>, vector<1x256xf32>
      %add3A_27 = arith.addf %get3A_26, %broadcast_in_dim3A_10 : vector<1x256xf32>
      %swap3A_28 = arith.constant 0 : index
      %swap3A_29 = arith.constant 0 : index
      %swap3A_30 = vector.load %arg5[%swap3A_28, %swap3A_29] : memref<1x256xf32, #tpu.memory_space<vmem>>, vector<1x256xf32>
      tpu.vector_store %arg5[%swap3A_28, %swap3A_29], %add3A_27 {strides = array<i32>} : memref<1x256xf32, #tpu.memory_space<vmem>>, vector<1x256xf32>,
    } else {
    }
    return
  }
  func.func @transform_0(%arg0: i32) -> (i32, i32) {
    %c0_i32 = arith.constant 0 : i32
    %c0_i32_0 = arith.constant 0 : i32
    return %arg0, %c0_i32 : i32, i32
  }
  func.func @transform_1(%arg0: i32) -> (i32, i32) {
    %c0_i32 = arith.constant 0 : i32
    %c0_i32_0 = arith.constant 0 : i32
    return %arg0, %c0_i32 : i32, i32
  }
  func.func @transform_2(%arg0: i32) -> (i32, i32) {
    %c0_i32 = arith.constant 0 : i32
    %c0_i32_0 = arith.constant 0 : i32
    return %arg0, %c0_i32 : i32, i32
  }
  func.func @transform_3(%arg0: i32) -> (i32, i32) {
    %c0_i32 = arith.constant 0 : i32
    %c0_i32_0 = arith.constant 0 : i32
    %c0_i32_1 = arith.constant 0 : i32
    return %c0_i32, %c0_i32_0 : i32, i32
  }
  func.func @transform_4(%arg0: i32) -> (i32, i32) {
    %c0_i32 = arith.constant 0 : i32
    %c0_i32_0 = arith.constant 0 : i32
    %c0_i32_1 = arith.constant 0 : i32
    return %c0_i32, %c0_i32_0 : i32, i32
  }
}

module attributes {stable_mosaic.version = 14 : i64} {
  func.func @_bn_silu_res_body(%arg0: i32, %arg1: memref<2000x256xf32, #tpu.memory_space<vmem>>, %arg2: memref<2000x256xf32, #tpu.memory_space<vmem>>, %arg3: memref<1x256xf32, #tpu.memory_space<vmem>>, %arg4: memref<1x256xf32, #tpu.memory_space<vmem>>, %arg5: memref<1x256xf32, #tpu.memory_space<vmem>>, %arg6: memref<1x256xf32, #tpu.memory_space<vmem>>, %arg7: memref<2000x256xf32, #tpu.memory_space<vmem>>) attributes {dimension_semantics = [#tpu.dimension_semantics<arbitrary>], iteration_bounds = array<i64: 80>, scalar_prefetch = 0 : i64, scratch_operands = 0 : i64, tpu.core_type = #tpu.core_type<tc>, window_params = [{transform_indices = @transform_0, window_bounds = array<i64: 2000, 256>}, {transform_indices = @transform_1, window_bounds = array<i64: 2000, 256>}, {pipeline_mode = #tpu.pipeline_mode<synchronous>, transform_indices = @transform_2, window_bounds = array<i64: 1, 256>}, {pipeline_mode = #tpu.pipeline_mode<synchronous>, transform_indices = @transform_3, window_bounds = array<i64: 1, 256>}, {pipeline_mode = #tpu.pipeline_mode<synchronous>, transform_indices = @transform_4, window_bounds = array<i64: 1, 256>}, {pipeline_mode = #tpu.pipeline_mode<synchronous>, transform_indices = @transform_5, window_bounds = array<i64: 1, 256>}, {transform_indices = @transform_6, window_bounds = array<i64: 2000, 256>}]} {
    %get3A = arith.constant 0 : index
    %get3A_0 = arith.constant 0 : index
    %get3A_1 = vector.load %arg3[%get3A, %get3A_0] : memref<1x256xf32, #tpu.memory_space<vmem>>, vector<1x256xf32>
    %div3A = arith.constant 1.600000e+05 : f32
    %div3A_2 = vector.broadcast %div3A : f32 to vector<1x256xf32>
    %div3A_3 = arith.divf %get3A_1, %div3A_2 : vector<1x256xf32>
    %get3A_4 = arith.constant 0 : index
    %get3A_5 = arith.constant 0 : index
    %get3A_6 = vector.load %arg4[%get3A_4, %get3A_5] : memref<1x256xf32, #tpu.memory_space<vmem>>, vector<1x256xf32>
    %div3A_7 = arith.constant 1.600000e+05 : f32
    %div3A_8 = vector.broadcast %div3A_7 : f32 to vector<1x256xf32>
    %div3A_9 = arith.divf %get3A_6, %div3A_8 : vector<1x256xf32>
    %mul3A = arith.mulf %div3A_3, %div3A_3 : vector<1x256xf32>
    %sub3A = arith.subf %div3A_9, %mul3A : vector<1x256xf32>
    %get3A_10 = arith.constant 0 : index
    %get3A_11 = arith.constant 0 : index
    %get3A_12 = vector.load %arg5[%get3A_10, %get3A_11] : memref<1x256xf32, #tpu.memory_space<vmem>>, vector<1x256xf32>
    %add3A = arith.constant 9.99999974E-6 : f32
    %add3A_13 = vector.broadcast %add3A : f32 to vector<1x256xf32>
    %add3A_14 = arith.addf %sub3A, %add3A_13 : vector<1x256xf32>
    %sqrt3A = math.sqrt %add3A_14 : vector<1x256xf32>
    %div3A_15 = arith.divf %get3A_12, %sqrt3A : vector<1x256xf32>
    %get3A_16 = arith.constant 0 : index
    %get3A_17 = arith.constant 0 : index
    %get3A_18 = vector.load %arg1[%get3A_16, %get3A_17] : memref<2000x256xf32, #tpu.memory_space<vmem>>, vector<2000x256xf32>
    %sub3A_19 = vector.broadcast %div3A_3 : vector<1x256xf32> to vector<2000x256xf32>
    %sub3A_20 = arith.subf %get3A_18, %sub3A_19 : vector<2000x256xf32>
    %mul3A_21 = vector.broadcast %div3A_15 : vector<1x256xf32> to vector<2000x256xf32>
    %mul3A_22 = arith.mulf %sub3A_20, %mul3A_21 : vector<2000x256xf32>
    %get3A_23 = arith.constant 0 : index
    %get3A_24 = arith.constant 0 : index
    %get3A_25 = vector.load %arg6[%get3A_23, %get3A_24] : memref<1x256xf32, #tpu.memory_space<vmem>>, vector<1x256xf32>
    %add3A_26 = vector.broadcast %get3A_25 : vector<1x256xf32> to vector<2000x256xf32>
    %add3A_27 = arith.addf %mul3A_22, %add3A_26 : vector<2000x256xf32>
    %get3A_28 = arith.constant 0 : index
    %get3A_29 = arith.constant 0 : index
    %get3A_30 = vector.load %arg2[%get3A_28, %get3A_29] : memref<2000x256xf32, #tpu.memory_space<vmem>>, vector<2000x256xf32>
    %logistic3A = arith.negf %add3A_27 : vector<2000x256xf32>
    %logistic3A_31 = math.exp %logistic3A : vector<2000x256xf32>
    %logistic3A_32 = arith.constant 1.000000e+00 : f32
    %logistic3A_33 = vector.broadcast %logistic3A_32 : f32 to vector<2000x256xf32>
    %logistic3A_34 = arith.addf %logistic3A_33, %logistic3A_31 : vector<2000x256xf32>
    %logistic3A_35 = arith.divf %logistic3A_33, %logistic3A_34 : vector<2000x256xf32>
    %mul3A_36 = arith.mulf %add3A_27, %logistic3A_35 : vector<2000x256xf32>
    %add3A_37 = arith.addf %get3A_30, %mul3A_36 : vector<2000x256xf32>
    %swap3A = arith.constant 0 : index
    %swap3A_38 = arith.constant 0 : index
    %swap3A_39 = vector.load %arg7[%swap3A, %swap3A_38] : memref<2000x256xf32, #tpu.memory_space<vmem>>, vector<2000x256xf32>
    tpu.vector_store %arg7[%swap3A, %swap3A_38], %add3A_37 {strides = array<i32>} : memref<2000x256xf32, #tpu.memory_space<vmem>>, vector<2000x256xf32>,
    return
  }
  func.func @transform_0(%arg0: i32) -> (i32, i32) {
    %c0_i32 = arith.constant 0 : i32
    %c0_i32_0 = arith.constant 0 : i32
    return %arg0, %c0_i32 : i32, i32
  }
  func.func @transform_1(%arg0: i32) -> (i32, i32) {
    %c0_i32 = arith.constant 0 : i32
    %c0_i32_0 = arith.constant 0 : i32
    return %arg0, %c0_i32 : i32, i32
  }
  func.func @transform_2(%arg0: i32) -> (i32, i32) {
    %c0_i32 = arith.constant 0 : i32
    %c0_i32_0 = arith.constant 0 : i32
    %c0_i32_1 = arith.constant 0 : i32
    return %c0_i32, %c0_i32_0 : i32, i32
  }
  func.func @transform_3(%arg0: i32) -> (i32, i32) {
    %c0_i32 = arith.constant 0 : i32
    %c0_i32_0 = arith.constant 0 : i32
    %c0_i32_1 = arith.constant 0 : i32
    return %c0_i32, %c0_i32_0 : i32, i32
  }
  func.func @transform_4(%arg0: i32) -> (i32, i32) {
    %c0_i32 = arith.constant 0 : i32
    %c0_i32_0 = arith.constant 0 : i32
    %c0_i32_1 = arith.constant 0 : i32
    return %c0_i32, %c0_i32_0 : i32, i32
  }
  func.func @transform_5(%arg0: i32) -> (i32, i32) {
    %c0_i32 = arith.constant 0 : i32
    %c0_i32_0 = arith.constant 0 : i32
    %c0_i32_1 = arith.constant 0 : i32
    return %c0_i32, %c0_i32_0 : i32, i32
  }
  func.func @transform_6(%arg0: i32) -> (i32, i32) {
    %c0_i32 = arith.constant 0 : i32
    %c0_i32_0 = arith.constant 0 : i32
    return %arg0, %c0_i32 : i32, i32
  }
}

</mosaic_0001>

<sc_bundles>
// kernel: kernel.12.cloned.1.call-start
scs
__scs_entry_jumppad:
0x0: {  	(pc) =	sbr.rel $0x88, $3  }
0x1: {  	(tag) =	ssettag $0x0;
	lr =	simm.s32 $0x1  }
0x2: {  	[smem:$0x3F90] =	sst lr;
	_ =	strace $0xD0000000  }
0x3: {  	_ = 	snop  }
0x4: {  	_ = 	snop  }
0x5: {  	_ = 	snop  }
0x6: {  	_ = 	snop  }
0x7: {  	_ = 	snop  }
__scs_overlays_trampoline_lowered:
0x8: {  	[smem:$0x3F9F] =	sst s0  }
0x9: {  	[smem:$0x3FA0] =	sst s1  }
0xa: {  	[smem:$0x3FA1] =	sst s2  }
0xb: {  	[smem:$0x3FA2] =	sst s3  }
0xc: {  	[smem:$0x3FA3] =	sst s4  }
0xd: {  	[smem:$0x3FA4] =	sst s5  }
0xe: {  	[smem:$0x3FA5] =	sst s6  }
0xf: {  	[smem:$0x3FA6] =	sst s7  }
0x10: {  	[smem:$0x3FA7] =	sst s8  }
0x11: {  	[smem:$0x3FA8] =	sst s9;
	s0 =	simm.s32 @!p0 $0x0  }
0x12: {  	s1 =	sld [smem:$0x3F8E];
	s0 =	simm.s32 @p0 $0x1  }
0x13: {  	[smem:$0x3FA9] =	sst s0;
	s0 =	simm.s32 @!p1 $0x0  }
0x14: {  	s2 =	sld [smem:$0x3F8D];
	s0 =	simm.s32 @p1 $0x1  }
0x15: {  	[smem:$0x3FAA] =	sst s0;
	s0 =	simm.s32 @!p2 $0x0  }
0x16: {  	s3 =	sld [smem:$0x3FDB];
	s0 =	simm.s32 @p2 $0x1  }
0x17: {  	s4 =	simm.s32 $0x1BF5;
	[smem:$0x3FAC] =	sst s0  }
0x18: {  	s0 =	sld [smem:$0x3F8F];
	_ =	swait.ge [sflag:s4], $0x0  }
0x19: {  	s7 =	sld [smem:$0x3F90]  }
0x1a: {  	s8 =	sadd.s32 $0xFFFFE003, lr  }
0x1b: {  	s9 =	sadd.s32 $0xFFFFFEF7, lr;
	s5 =	simm.s32 $0xFFFFFFFF;
	p2 =	slt.u32 s8, $0xFFFFF086  }
0x1c: {  	p1 =	slt.u32 s9, $0xF7A;
	s5 =	simm.s32 @!p2 $0x0  }
0x1d: {  	s5 =	simm.s32 @p1 $0x1;
	p0 =	seq.s32 s7, s2  }
0x1e: {  	s7 =	smul.u32 @!p0 $0xF7A, s2;
	p2 =	seq.s32 @!p0 s5, $0x0  }
0x1f: {  	s9 =	smul.u32 $0xF7A, s1;
	s8 =	simm.s32 @!p0 $0x1BF5;
	p2 =	por !p2, p0  }
0x20: {  	[sflag:s8] =	ssyncset.s32 @!p0 $0xFFFFF086;
	s6 =	sadd.s32 @!p0 s3, s7;
	s7 =	simm.s32 @!p0 $0x108  }
0x21: {  	s3 =	sadd.s32 s3, s9;
	s6 =	sadd.s32 @!p0 $0x88, s6;
	s7 =	simm.s32 @p2 $0x1082  }
0x22: {  	[simem:s7], [sflag:s8] =	dma.local @!p0 [hbm:s6], $0xF7A  }
0x23: {  	s9 =	sor.u32 $0xD0000000, s2;
	s6 =	simm.s32 $0x108;
	_ =	swait.ge @!p0 [sflag:s8], $0x0  }
0x24: {  	s3 =	sadd.s32 $0x88, s3;
	s6 =	simm.s32 @!p1 $0x1082;
	[sflag:s4] =	ssyncset.s32 $0xFFFFF086  }
0x25: {  	[simem:s6], [sflag:s4] =	dma.local [hbm:s3], $0xF7A  }
0x26: {  	[smem:$0x3F90] =	sst s1;
	(tag) =	ssettag s2;
	_ =	strace s9  }
0x27: {  	s1 =	sld [smem:$0x3FA0]  }
0x28: {  	s2 =	sld [smem:$0x3FA1]  }
0x29: {  	s4 =	sld [smem:$0x3FA3]  }
0x2a: {  	p0 =	seq.s32 s5, $0x0;
	s5 =	sld [smem:$0x3FA4]  }
0x2b: {  	s6 =	sld [smem:$0x3FA5]  }
0x2c: {  	s7 =	sld [smem:$0x3FA6]  }
0x2d: {  	s3 =	simm.s32 $0x108;
	s8 =	sld [smem:$0x3FA7]  }
0x2e: {  	s3 =	simm.s32 @!p0 $0x1082;
	s9 =	sld [smem:$0x3FA8]  }
0x2f: {  	lr =	sadd.s32 s0, s3;
	s0 =	sld [smem:$0x3F9F]  }
0x30: {  	s3 =	sld [smem:$0x3FA2]  }
0x31: {  	[smem:$0x3FAB] =	sst s10  }
0x32: {  	s10 =	sld [smem:$0x3FA9];
	_ =	sdelay $0x3  }
0x33: {  	p0 =	seq.s32 s10, $0x1;
	s10 =	sld [smem:$0x3FAB];
	_ =	sdelay $0x3  }
0x34: {  	[smem:$0x3FAB] =	sst s10  }
0x35: {  	s10 =	sld [smem:$0x3FAA];
	_ =	sdelay $0x3  }
0x36: {  	p1 =	seq.s32 s10, $0x1;
	s10 =	sld [smem:$0x3FAB];
	_ =	sdelay $0x3  }
0x37: {  	[smem:$0x3FAB] =	sst s10  }
0x38: {  	s10 =	sld [smem:$0x3FAC]  }
0x39: {  	_ = 	snop;
	(pc) =	sbr.ind lr, $3  }
0x3a: {  	_ = 	snop  }
0x3b: {  	_ = 	snop  }
0x3c: {  	p2 =	seq.s32 s10, $0x1;
	s10 =	sld [smem:$0x3FAB]  }
0x3d: {  	_ =	shalt  }
0x3e: {  	_ =	shalt  }
0x3f: {  	_ =	shalt  }
0x40: {  	_ =	shalt  }
0x41: {  	_ =	shalt  }
0x42: {  	_ =	shalt  }
0x43: {  	_ =	shalt  }
0x44: {  	_ =	shalt  }
0x45: {  	_ =	shalt  }
0x46: {  	_ =	shalt  }
0x47: {  	_ =	shalt  }
0x48: {  	_ =	shalt  }
0x49: {  	_ =	shalt  }
0x4a: {  	_ =	shalt  }
0x4b: {  	_ =	shalt  }
0x4c: {  	_ =	shalt  }
0x4d: {  	_ =	shalt  }
0x4e: {  	_ =	shalt  }
0x4f: {  	_ =	shalt  }
0x50: {  	_ =	shalt  }
0x51: {  	_ =	shalt  }
0x52: {  	_ =	shalt  }
0x53: {  	_ =	shalt  }
0x54: {  	_ =	shalt  }
0x55: {  	_ =	shalt  }
0x56: {  	_ =	shalt  }
0x57: {  	_ =	shalt  }
0x58: {  	_ =	shalt  }
0x59: {  	_ =	shalt  }
0x5a: {  	_ =	shalt  }
0x5b: {  	_ =	shalt  }
0x5c: {  	_ =	shalt  }
0x5d: {  	_ =	shalt  }
0x5e: {  	_ =	shalt  }
0x5f: {  	_ =	shalt  }
0x60: {  	_ =	shalt  }
0x61: {  	_ =	shalt  }
0x62: {  	_ =	shalt  }
0x63: {  	_ =	shalt  }
0x64: {  	_ =	shalt  }
0x65: {  	_ =	shalt  }
0x66: {  	_ =	shalt  }
0x67: {  	_ =	shalt  }
0x68: {  	_ =	shalt  }
0x69: {  	_ =	shalt  }
0x6a: {  	_ =	shalt  }
0x6b: {  	_ =	shalt  }
0x6c: {  	_ =	shalt  }
0x6d: {  	_ =	shalt  }
0x6e: {  	_ =	shalt  }
0x6f: {  	_ =	shalt  }
0x70: {  	_ =	shalt  }
0x71: {  	_ =	shalt  }
0x72: {  	_ =	shalt  }
0x73: {  	_ =	shalt  }
0x74: {  	_ =	shalt  }
0x75: {  	_ =	shalt  }
0x76: {  	_ =	shalt  }
0x77: {  	_ =	shalt  }
0x78: {  	_ =	shalt  }
0x79: {  	_ =	shalt  }
0x7a: {  	_ =	shalt  }
0x7b: {  	_ =	shalt  }
0x7c: {  	_ =	shalt  }
0x7d: {  	_ =	shalt  }
0x7e: {  	_ =	shalt  }
0x7f: {  	_ =	shalt  }
0x80: {  	_ =	shalt  }
0x81: {  	_ =	shalt  }
0x82: {  	_ =	shalt  }
0x83: {  	_ =	shalt  }
0x84: {  	_ =	shalt  }
0x85: {  	_ =	shalt  }
0x86: {  	_ =	shalt  }
0x87: {  	_ =	shalt  }
.Lfunc_end0:
.L_simem_size_0:
called_computation_lowered:
.L_overlay_start_0:
0x88: {  	s2 =	sld [smem:$0x3FD9]  }
0x89: {  	s3 =	sld [smem:$0x3FFE];
	_ =	sdelay $0x1  }
0x8a: {  	s1 =	srdreg.scid  }
0x8b: {  	s0 =	sand.u32 $0x1, s1  }
0x8c: {  	s16 =	sshll.u32 s0, $0xA;
	s2 =	sadd.s32 s3, s2  }
0x8d: {  	s2 =	sadd.s32 s2, s16  }
0x8e: {  	[smem:$0x3FB7] =	sst s2  }
0x8f: {  	_ = 	snop  }
0x90: {  	(tm) =	ssettm $0x1  }
0x91: {  	s17 =	sld [smem:$0x3FFB];
	_ =	sdelay $0x3  }
0x92: {  	_ =	strace s17  }
0x93: {  	s2 =	sld [smem:$0x3FFC];
	_ =	sdelay $0x3  }
0x94: {  	_ =	strace s2  }
0x95: {  	s2 =	sld [smem:$0x3FFD];
	_ =	sdelay $0x3  }
0x96: {  	_ =	strace s2  }
0x97: {  	_ =	strace $0x8FFFFFFF  }
0x98: {  	s18 =	sld [smem:$0x3FDB];
	_ =	sdelay $0x1  }
0x99: {  	s19 =	simm.s32 $_scs_section_size  }
0x9a: {  	s4 =	simm.s32 $_size__tile_overlayer_lowered;
	s5 =	simm.s32 $_tile_overlayer_lowered  }
0x9b: {  	s22 =	simm.s32 $0x1BFF;
	s21 =	sshll.u32 s5, $0x1;
	s2 =	sadd.s32 s19, s18  }
0x9c: {  	s6 =	simm.s32 $0x0;
	s20 =	sshll.u32 s4, $0x1;
	s4 =	sadd.s32 s21, s2  }
0x9d: {  	[timem:s6], [sflag:s22] =	dma.local [hbm:s4], s20  }
0x9e: {  	_ =	swait.ge [sflag:s22], s20  }
0x9f: {  	s3 =	ssub.s32 $0x0, s20;
	[sflag:s22] =	ssyncset.done $0x0  }
0xa0: {  	[sflag:s22] =	ssyncadd.s32 s3;
	_ =	sdelay $0x1  }
0xa1: {  	s23 =	simm.s32 $0x1B8B  }
0xa2: {  	_ =	swait.ge [sflag:s23], $0x1  }
0xa3: {  	[sflag:s23] =	ssyncset.done $0x0  }
0xa4: {  	s25 =	simm.s32 $0x1B8E;
	s24 =	sld [smem:$0x3FFE];
	[sflag:s23] =	ssyncadd.s32 $0xFFFFFFFF  }
0xa5: {  	s26 =	simm.s32 $execute0_lowered;
	[smem:$0x3FD2] =	sst s25  }
0xa6: {  	s4 =	sshll.u32 s26, $0x1;
	_ =	strace $0x80000046;
	[dreg:$0x1] =	wrdreg $0xFFFFFFFF  }
0xa7: {  	s28 =	simm.s32 $_size_execute0_lowered;
	s2 =	sadd.s32 s2, s4;
	[dreg:$0x0] =	wrdreg $0x0  }
0xa8: {  	s4 =	sshll.u32 s28, $0x1;
	[dreg:$0x2] =	wrdreg s2  }
0xa9: {  	[dreg:$0x3] =	wrdreg s4  }
0xaa: {  	[dreg:$0x4] =	wrdreg $0xC0  }
0xab: {  	_ =	task [dreg:s6], $0x5FFFF  }
0xac: {  	[dreg:$0x1] =	wrdreg $0xFFFFFFFF  }
0xad: {  	[dreg:$0x0] =	wrdreg $0x60  }
0xae: {  	[dreg:$0x2] =	wrdreg s24  }
0xaf: {  	[dreg:$0x3] =	wrdreg $0x78800  }
0xb0: {  	[dreg:$0x4] =	wrdreg $0x9  }
0xb1: {  	_ =	task.clear_ibuf [dreg:s6], $0x5FFFF;
	_ =	strace $0x90000046  }
0xb2: {  	s29 =	simm.s32 $0x9;
	_ =	strace $0x80000048  }
0xb3: {  	_ =	swait.ge [sflag:s29], $0x1  }
0xb4: {  	[sflag:s29] =	ssyncadd.s32 $0xFFFFFFFF  }
0xb5: {  	_ =	strace $0x90000048  }
0xb6: {  	_ =	sfence  }
0xb7: {  	s30 =	sld [smem:$0x0];
	_ =	sdelay $0x2  }
0xb8: {  	s31 =	sshll.u32 s1, $0xD;
	s1 =	sshrl.u32 s1, $0x2  }
0xb9: {  	s3 =	sand.u32 $0x4000, s31;
	s1 =	sadd.s32 s1, s30  }
0xba: {  	s0 =	sor.u32 s3, s0;
	s1 =	sshll.u32 s1, $0x11  }
0xbb: {  	s0 =	sor.u32 s1, s0  }
0xbc: {  	s0 =	sadd.s32 $0x8F2B, s0  }
0xbd: {  	[sflag:s0] =	ssyncadd.remote.s32 $0x1  }
0xbe: {  	_ =	sfence.sel $0xFFFF  }
0xbf: {  	[dreg:$0x0] =	wrdreg $0xFFFFFFFF;
	(pc) =	sbr.abs _section_cstart, $3  }
0xc0: {  	[dreg:$0x1] =	wrdreg $0xFFFFFFFF  }
0xc1: {  	_ =	task.clear_ibuf [dreg:s6], $0x2FFFF;
	_ =	strace $0x9FFFFFFF  }
0xc2: {  	(tm) =	ssettm $0x7FFFFFFF  }
0xc3: {  	_ =	shalt  }
tec
execute0_lowered:
.L_overlay_start_1:
0x0: {  	(tag) =	ssettag $0x1  }
0x1: {  	s0 =	srdreg.scid;
	s4 =	rddreg [dreg:$0x0]  }
0x2: {  	s2 =	rddreg [dreg:$0x1];
	s5 =	sand.u32 $0x1, s0  }
0x3: {  	s0 =	stileid.u32;
	s6 =	smul.u32 $0x13880, s5  }
0x4: {  	s1 =	rddreg [dreg:$0x2];
	s3 =	simm.s32 $0x0;
	s7 =	smul.u32 $0x1388, s0  }
0x5: {  	s12 =	simm.s32 $0x1;
	s13 =	simm.s32 $0x28;
	s8 =	smul.u32 $0x27100, s5  }
0x6: {  	s14 =	simm.s32 $0x80;
	s17 =	simm.s32 $0x0;
	s28 =	smul.u32 $0x3E80, s0  }
0x7: {  	[smem:$0x7FF] =	sst s3;
	s9 =	smul.u32 $0x7D000, s0;
	s5 =	ssub.s32 $0x2, s5  }
0x8: {  	_ =	strace $0x80000047;
	p0 =	sgt.u32 s0, $0x9;
	s30 =	sshrl.u32 s5, $0x1  }
0x9: {  	s15 =	sshll.u32 @!p0 s0, $0x6;
	s6 =	sadd.s32 s7, s6;
	s29 =	sadd.s32 s28, s8  }
0xa: {  	s31 =	sshrl.u32 s9, $0x2;
	s7 =	ssub.s32 s5, s30;
	s6 =	sshrl.u32 s6, $0x3  }
0xb: {  	s15 =	sor.u32 @!p0 $0x1C01, s15;
	s11 =	sadd.s32 s6, s4;
	s6 =	sadd.s32 s29, s4  }
0xc: {  	s4 =	sadd.s32 s31, s2;
	s5 =	sadd.s32 $0xDA00, s6;
	s6 =	smax.u32 s7, $0x1  }
0xd: {  	s7 =	sadd.s32 $0x6400, s4;
	s8 =	sadd.s32 $0xC800, s4;
	s9 =	sadd.s32 $0x12C00, s4  }
0xe: {  	v0 =	vimm.f32 $7.812500000e-03;
	v1 =	vimm.f32 $0.0e+00;
	s10 =	sadd.s32 $0x19000, s4;
	s11 =	sadd.s32 $0x8A00, s11;
	s16 =	sshrl.u32 @!p0 s4, $0x3  }
.LBB2_1:
0xf: {  	s18 =	simm.s32 $0x70;
	s19 =	simm.s32 $0x3C0  }
.LBB2_2:
0x10: {  	p1 =	sne.s32 s19, $0x4FC0;
	[tilespmem:s18+$0x80] =	vst v0  }
0x11: {  	[tilespmem:s18+$0x10] =	vst v0  }
0x12: {  	[tilespmem:s18+$0x20] =	vst v0  }
.Ltmp0:
0x13: {  	[tilespmem:s18+$0x30] =	vst v0;
	(pc) =	sbr.rel @p1 .LBB2_2-.Ltmp0, $4  }
0x14: {  	[tilespmem:s18+$0x40] =	vst v0  }
0x15: {  	[tilespmem:s18+$0x50] =	vst v0  }
0x16: {  	[tilespmem:s18+$0x60] =	vst v0  }
0x17: {  	[tilespmem:s18+$0x70] =	vst v0;
	s18 =	sshra.s32 s19, $0x2;
	s19 =	sadd.s32 $0x200, s19  }
0x18: {  	[tilespmem:s18+$0x80] =	vst v0  }
0x19: {  	[tilespmem:s18+$0x10] =	vst v0  }
0x1a: {  	[tilespmem:s18+$0x20] =	vst v0  }
0x1b: {  	[tilespmem:s18+$0x30] =	vst v0  }
0x1c: {  	[tilespmem:s18+$0x40] =	vst v0  }
0x1d: {  	[tilespmem:s18+$0x50] =	vst v0  }
0x1e: {  	[tilespmem:s18+$0x60] =	vst v0  }
0x1f: {  	[tilespmem:s18+$0x70] =	vst v0;
	s18 =	simm.s32 $0x70;
	s19 =	simm.s32 $0x3C0  }
.LBB2_4:
0x20: {  	p1 =	sne.s32 s19, $0x18FC0;
	[tilespmem:s18+$0x1480] =	vst v1  }
0x21: {  	[tilespmem:s18+$0x1410] =	vst v1  }
0x22: {  	[tilespmem:s18+$0x1420] =	vst v1  }
.Ltmp1:
0x23: {  	[tilespmem:s18+$0x1430] =	vst v1;
	(pc) =	sbr.rel @p1 .LBB2_4-.Ltmp1, $4  }
0x24: {  	[tilespmem:s18+$0x1440] =	vst v1  }
0x25: {  	[tilespmem:s18+$0x1450] =	vst v1  }
0x26: {  	[tilespmem:s18+$0x1460] =	vst v1  }
0x27: {  	[tilespmem:s18+$0x1470] =	vst v1;
	s18 =	sshra.s32 s19, $0x2;
	s19 =	sadd.s32 $0x200, s19  }
0x28: {  	[tilespmem:s18+$0x1480] =	vst v1  }
0x29: {  	[tilespmem:s18+$0x1410] =	vst v1  }
0x2a: {  	[tilespmem:s18+$0x1420] =	vst v1  }
0x2b: {  	[tilespmem:s18+$0x1430] =	vst v1  }
0x2c: {  	[tilespmem:s18+$0x1440] =	vst v1  }
0x2d: {  	[tilespmem:s18+$0x1450] =	vst v1  }
0x2e: {  	[tilespmem:s18+$0x1460] =	vst v1  }
0x2f: {  	[tilespmem:s18+$0x1470] =	vst v1;
	s18 =	simm.s32 @!p0 $0x1480;
	s19 =	simm.s32 @!p0 $0x1  }
0x30: {  	[spmem:s4] =	stream.linear.scatter @!p0 [tilespmem:s18], [sflag:$0x1], $0x6400, $0x38;
	[tilespmem:$0x1B100] =	vst v63  }
0x31: {  	_ =	swait.ge @!p0 [sflag:s19], $0x6400  }
0x32: {  	[sflag:s19] =	ssyncset.done @!p0 $0x0  }
0x33: {  	[sflag:s19] =	ssyncadd.s32 @!p0 $0xFFFF9C00  }
0x34: {  	[spmem:s7] =	stream.linear.scatter @!p0 [tilespmem:s18], [sflag:$0x1], $0x6400, $0x38;
	[tilespmem:$0x1B100] =	vst v63  }
0x35: {  	_ =	swait.ge @!p0 [sflag:s19], $0x6400  }
0x36: {  	[sflag:s19] =	ssyncset.done @!p0 $0x0  }
0x37: {  	[sflag:s19] =	ssyncadd.s32 @!p0 $0xFFFF9C00  }
0x38: {  	[spmem:s8] =	stream.linear.scatter @!p0 [tilespmem:s18], [sflag:$0x1], $0x6400, $0x38;
	[tilespmem:$0x1B100] =	vst v63  }
0x39: {  	_ =	swait.ge @!p0 [sflag:s19], $0x6400  }
0x3a: {  	[sflag:s19] =	ssyncset.done @!p0 $0x0  }
0x3b: {  	[sflag:s19] =	ssyncadd.s32 @!p0 $0xFFFF9C00  }
0x3c: {  	[spmem:s9] =	stream.linear.scatter @!p0 [tilespmem:s18], [sflag:$0x1], $0x6400, $0x38;
	[tilespmem:$0x1B100] =	vst v63  }
0x3d: {  	_ =	swait.ge @!p0 [sflag:s19], $0x6400  }
0x3e: {  	[sflag:s19] =	ssyncset.done @!p0 $0x0  }
0x3f: {  	[sflag:s19] =	ssyncadd.s32 @!p0 $0xFFFF9C00  }
0x40: {  	[spmem:s10] =	stream.linear.scatter @!p0 [tilespmem:s18], [sflag:$0x1], $0x6400, $0x38;
	[tilespmem:$0x1B100] =	vst v63  }
0x41: {  	_ =	swait.ge @!p0 [sflag:s19], $0x6400  }
0x42: {  	[sflag:s19] =	ssyncset.done @!p0 $0x0  }
0x43: {  	[sflag:s19] =	ssyncadd.s32 @!p0 $0xFFFF9C00  }
0x44: {  	s31 =	sadd.s32 $0x0, s11;
	[bflag:$0x0] =	sbarrier.arrive $0xFFFF  }
0x45: {  	[tilespmem:s3], [sflag:$0x1] =	stream.linear.gather [hbm4b:s31+s3], $0x28, $0x38;
	[tilespmem:$0x1B100] =	vst v63  }
0x46: {  	_ =	swait.ge [sflag:s12], $0x28  }
0x47: {  	[sflag:s12] =	ssyncset.done $0x0  }
0x48: {  	[sflag:s12] =	ssyncadd.s32 $0xFFFFFFD8  }
0x49: {  	[spmem:s2] =	stream.indirect.scatter.add.f32 [tilespmem:s14], [sflag:$0x1], $0x80, s3, s13, $0xb8;
	[tilespmem:$0x1B100] =	vst v63  }
0x4a: {  	_ =	swait.ge [sflag:s12], $0x1400  }
0x4b: {  	s18 =	simm.s32 $0x5;
	s19 =	simm.s32 $0xA;
	[sflag:s12] =	ssyncset.done $0x0  }
.LBB2_6:
0x4c: {  	s20 =	sadd.s32 s18, s11  }
0x4d: {  	[sflag:s12] =	ssyncadd.s32 $0xFFFFEC00;
	s18 =	smov.u32 s19;
	s21 =	sadd.s32 $0x5, s19  }
0x4e: {  	[tilespmem:s3], [sflag:$0x1] =	stream.linear.gather [hbm4b:s20+s3], $0x28, $0x38;
	[tilespmem:$0x1B100] =	vst v63  }
0x4f: {  	p1 =	sne.s32 s19, $0x26C;
	_ =	swait.ge [sflag:s12], $0x28  }
.Ltmp2:
0x50: {  	[sflag:s12] =	ssyncset.done $0x0;
	(pc) =	sbr.rel @p1 .LBB2_6-.Ltmp2, $4  }
0x51: {  	[sflag:s12] =	ssyncadd.s32 $0xFFFFFFD8  }
0x52: {  	[spmem:s2] =	stream.indirect.scatter.add.f32 [tilespmem:s14], [sflag:$0x1], $0x80, s3, s13, $0xb8;
	[tilespmem:$0x1B100] =	vst v63  }
0x53: {  	_ =	swait.ge [sflag:s12], $0x1400  }
0x54: {  	s19 =	smov.u32 s21;
	[sflag:s12] =	ssyncset.done $0x0  }
0x55: {  	s18 =	sadd.s32 s18, s11;
	[sflag:s12] =	ssyncadd.s32 $0xFFFFEC00  }
0x56: {  	[tilespmem:s3], [sflag:$0x1] =	stream.linear.gather [hbm4b:s18+s3], $0x28, $0x38;
	[tilespmem:$0x1B100] =	vst v63  }
0x57: {  	_ =	swait.ge [sflag:s12], $0x28  }
0x58: {  	[sflag:s12] =	ssyncset.done $0x0  }
0x59: {  	[sflag:s12] =	ssyncadd.s32 $0xFFFFFFD8  }
0x5a: {  	[spmem:s2] =	stream.indirect.scatter.add.f32 [tilespmem:s14], [sflag:$0x1], $0x80, s3, s13, $0xb8;
	[tilespmem:$0x1B100] =	vst v63  }
0x5b: {  	_ =	swait.ge [sflag:s12], $0x1400  }
0x5c: {  	s17 =	sadd.s32 $0x1, s17;
	[sflag:s12] =	ssyncset.done $0x0  }
0x5d: {  	p1 =	sne.s32 s17, s6;
	[sflag:s12] =	ssyncadd.s32 $0xFFFFEC00  }
.Ltmp3:
0x5e: {  	s18 =	simm.s32 @!p0 $0x1;
	[bflag:$0x0] =	sbarrier.arrive $0xFFFF;
	(pc) =	sbr.rel @p1 .LBB2_1-.Ltmp3, $4  }
0x5f: {  	[hbm:s5], [sflag:s15] =	dma.local @!p0 [spmem:s16], $0x3E80  }
0x60: {  	_ =	swait.ge @!p0 [sflag:s18], $0x3E80  }
0x61: {  	[sflag:s18] =	ssyncset.done @!p0 $0x0  }
0x62: {  	[sflag:s18] =	ssyncadd.s32 @!p0 $0xFFFFC180  }
0x63: {  	_ =	sfence.sel $0x180000  }
0x64: {  	[bflag:$0x0] =	sbarrier.arrive $0xFFFF  }
0x65: {  	p0 =	sne.s32 s0, $0x0;
	_ =	strace $0x90000047  }
0x66: {  	s0 =	sadd.s32 @!p0 $0x100000, s1;
	[bflag:$0x2] =	sbarrier.arrive $0xFFFF  }
0x67: {  	[sflag:s0] =	ssyncadd.tile.s32 @!p0 $0x1;
	_ =	shalt  }
.Lfunc_end2:
_tile_overlayer_lowered:
.L_overlay_start_2:
0x68: {  	(tag) =	ssettag $0x2  }
0x69: {  	s0 =	rddreg [dreg:$0x0];
	s2 =	stileid.u32  }
0x6a: {  	s1 =	rddreg [dreg:$0x1];
	p0 =	sne.s32 s2, $0x0  }
0x6b: {  	s3 =	rddreg [dreg:$0x2];
	[bflag:$0x3] =	sbarrier.arrive $0xFFFF;
	s2 =	simm.s32 @!p0 $0x1C01  }
0x6c: {  	[timem:s3], [sflag:s2] =	dma.local @!p0 [hbm:s0], s1  }
0x6d: {  	s0 =	simm.s32 @!p0 $0x1  }
0x6e: {  	_ =	swait.ge @!p0 [sflag:s0], s1  }
0x6f: {  	s1 =	ssub.s32 @!p0 $0x0, s1;
	[sflag:s0] =	ssyncset.done @!p0 $0x0  }
0x70: {  	[sflag:s0] =	ssyncadd.s32 @!p0 s1  }
0x71: {  	[bflag:$0x3] =	sbarrier.arrive $0xFFFF  }
0x72: {  	_ =	shalt  }

// kernel: kernel.15.cloned.1.call-start
scs
__scs_entry_jumppad:
0x0: {  	(pc) =	sbr.rel $0x88, $3  }
0x1: {  	(tag) =	ssettag $0x0;
	lr =	simm.s32 $0x1  }
0x2: {  	[smem:$0x3F90] =	sst lr;
	_ =	strace $0xD0000000  }
0x3: {  	_ = 	snop  }
0x4: {  	_ = 	snop  }
0x5: {  	_ = 	snop  }
0x6: {  	_ = 	snop  }
0x7: {  	_ = 	snop  }
__scs_overlays_trampoline_lowered:
0x8: {  	[smem:$0x3F9F] =	sst s0  }
0x9: {  	[smem:$0x3FA0] =	sst s1  }
0xa: {  	[smem:$0x3FA1] =	sst s2  }
0xb: {  	[smem:$0x3FA2] =	sst s3  }
0xc: {  	[smem:$0x3FA3] =	sst s4  }
0xd: {  	[smem:$0x3FA4] =	sst s5  }
0xe: {  	[smem:$0x3FA5] =	sst s6  }
0xf: {  	[smem:$0x3FA6] =	sst s7  }
0x10: {  	[smem:$0x3FA7] =	sst s8  }
0x11: {  	[smem:$0x3FA8] =	sst s9;
	s0 =	simm.s32 @!p0 $0x0  }
0x12: {  	s1 =	sld [smem:$0x3F8E];
	s0 =	simm.s32 @p0 $0x1  }
0x13: {  	[smem:$0x3FA9] =	sst s0;
	s0 =	simm.s32 @!p1 $0x0  }
0x14: {  	s2 =	sld [smem:$0x3F8D];
	s0 =	simm.s32 @p1 $0x1  }
0x15: {  	[smem:$0x3FAA] =	sst s0;
	s0 =	simm.s32 @!p2 $0x0  }
0x16: {  	s3 =	sld [smem:$0x3FDB];
	s0 =	simm.s32 @p2 $0x1  }
0x17: {  	s4 =	simm.s32 $0x1BF5;
	[smem:$0x3FAC] =	sst s0  }
0x18: {  	s0 =	sld [smem:$0x3F8F];
	_ =	swait.ge [sflag:s4], $0x0  }
0x19: {  	s7 =	sld [smem:$0x3F90]  }
0x1a: {  	s8 =	sadd.s32 $0xFFFFE003, lr  }
0x1b: {  	s9 =	sadd.s32 $0xFFFFFEF7, lr;
	s5 =	simm.s32 $0xFFFFFFFF;
	p2 =	slt.u32 s8, $0xFFFFF086  }
0x1c: {  	p1 =	slt.u32 s9, $0xF7A;
	s5 =	simm.s32 @!p2 $0x0  }
0x1d: {  	s5 =	simm.s32 @p1 $0x1;
	p0 =	seq.s32 s7, s2  }
0x1e: {  	s7 =	smul.u32 @!p0 $0xF7A, s2;
	p2 =	seq.s32 @!p0 s5, $0x0  }
0x1f: {  	s9 =	smul.u32 $0xF7A, s1;
	s8 =	simm.s32 @!p0 $0x1BF5;
	p2 =	por !p2, p0  }
0x20: {  	[sflag:s8] =	ssyncset.s32 @!p0 $0xFFFFF086;
	s6 =	sadd.s32 @!p0 s3, s7;
	s7 =	simm.s32 @!p0 $0x108  }
0x21: {  	s3 =	sadd.s32 s3, s9;
	s6 =	sadd.s32 @!p0 $0x88, s6;
	s7 =	simm.s32 @p2 $0x1082  }
0x22: {  	[simem:s7], [sflag:s8] =	dma.local @!p0 [hbm:s6], $0xF7A  }
0x23: {  	s9 =	sor.u32 $0xD0000000, s2;
	s6 =	simm.s32 $0x108;
	_ =	swait.ge @!p0 [sflag:s8], $0x0  }
0x24: {  	s3 =	sadd.s32 $0x88, s3;
	s6 =	simm.s32 @!p1 $0x1082;
	[sflag:s4] =	ssyncset.s32 $0xFFFFF086  }
0x25: {  	[simem:s6], [sflag:s4] =	dma.local [hbm:s3], $0xF7A  }
0x26: {  	[smem:$0x3F90] =	sst s1;
	(tag) =	ssettag s2;
	_ =	strace s9  }
0x27: {  	s1 =	sld [smem:$0x3FA0]  }
0x28: {  	s2 =	sld [smem:$0x3FA1]  }
0x29: {  	s4 =	sld [smem:$0x3FA3]  }
0x2a: {  	p0 =	seq.s32 s5, $0x0;
	s5 =	sld [smem:$0x3FA4]  }
0x2b: {  	s6 =	sld [smem:$0x3FA5]  }
0x2c: {  	s7 =	sld [smem:$0x3FA6]  }
0x2d: {  	s3 =	simm.s32 $0x108;
	s8 =	sld [smem:$0x3FA7]  }
0x2e: {  	s3 =	simm.s32 @!p0 $0x1082;
	s9 =	sld [smem:$0x3FA8]  }
0x2f: {  	lr =	sadd.s32 s0, s3;
	s0 =	sld [smem:$0x3F9F]  }
0x30: {  	s3 =	sld [smem:$0x3FA2]  }
0x31: {  	[smem:$0x3FAB] =	sst s10  }
0x32: {  	s10 =	sld [smem:$0x3FA9];
	_ =	sdelay $0x3  }
0x33: {  	p0 =	seq.s32 s10, $0x1;
	s10 =	sld [smem:$0x3FAB];
	_ =	sdelay $0x3  }
0x34: {  	[smem:$0x3FAB] =	sst s10  }
0x35: {  	s10 =	sld [smem:$0x3FAA];
	_ =	sdelay $0x3  }
0x36: {  	p1 =	seq.s32 s10, $0x1;
	s10 =	sld [smem:$0x3FAB];
	_ =	sdelay $0x3  }
0x37: {  	[smem:$0x3FAB] =	sst s10  }
0x38: {  	s10 =	sld [smem:$0x3FAC]  }
0x39: {  	_ = 	snop;
	(pc) =	sbr.ind lr, $3  }
0x3a: {  	_ = 	snop  }
0x3b: {  	_ = 	snop  }
0x3c: {  	p2 =	seq.s32 s10, $0x1;
	s10 =	sld [smem:$0x3FAB]  }
0x3d: {  	_ =	shalt  }
0x3e: {  	_ =	shalt  }
0x3f: {  	_ =	shalt  }
0x40: {  	_ =	shalt  }
0x41: {  	_ =	shalt  }
0x42: {  	_ =	shalt  }
0x43: {  	_ =	shalt  }
0x44: {  	_ =	shalt  }
0x45: {  	_ =	shalt  }
0x46: {  	_ =	shalt  }
0x47: {  	_ =	shalt  }
0x48: {  	_ =	shalt  }
0x49: {  	_ =	shalt  }
0x4a: {  	_ =	shalt  }
0x4b: {  	_ =	shalt  }
0x4c: {  	_ =	shalt  }
0x4d: {  	_ =	shalt  }
0x4e: {  	_ =	shalt  }
0x4f: {  	_ =	shalt  }
0x50: {  	_ =	shalt  }
0x51: {  	_ =	shalt  }
0x52: {  	_ =	shalt  }
0x53: {  	_ =	shalt  }
0x54: {  	_ =	shalt  }
0x55: {  	_ =	shalt  }
0x56: {  	_ =	shalt  }
0x57: {  	_ =	shalt  }
0x58: {  	_ =	shalt  }
0x59: {  	_ =	shalt  }
0x5a: {  	_ =	shalt  }
0x5b: {  	_ =	shalt  }
0x5c: {  	_ =	shalt  }
0x5d: {  	_ =	shalt  }
0x5e: {  	_ =	shalt  }
0x5f: {  	_ =	shalt  }
0x60: {  	_ =	shalt  }
0x61: {  	_ =	shalt  }
0x62: {  	_ =	shalt  }
0x63: {  	_ =	shalt  }
0x64: {  	_ =	shalt  }
0x65: {  	_ =	shalt  }
0x66: {  	_ =	shalt  }
0x67: {  	_ =	shalt  }
0x68: {  	_ =	shalt  }
0x69: {  	_ =	shalt  }
0x6a: {  	_ =	shalt  }
0x6b: {  	_ =	shalt  }
0x6c: {  	_ =	shalt  }
0x6d: {  	_ =	shalt  }
0x6e: {  	_ =	shalt  }
0x6f: {  	_ =	shalt  }
0x70: {  	_ =	shalt  }
0x71: {  	_ =	shalt  }
0x72: {  	_ =	shalt  }
0x73: {  	_ =	shalt  }
0x74: {  	_ =	shalt  }
0x75: {  	_ =	shalt  }
0x76: {  	_ =	shalt  }
0x77: {  	_ =	shalt  }
0x78: {  	_ =	shalt  }
0x79: {  	_ =	shalt  }
0x7a: {  	_ =	shalt  }
0x7b: {  	_ =	shalt  }
0x7c: {  	_ =	shalt  }
0x7d: {  	_ =	shalt  }
0x7e: {  	_ =	shalt  }
0x7f: {  	_ =	shalt  }
0x80: {  	_ =	shalt  }
0x81: {  	_ =	shalt  }
0x82: {  	_ =	shalt  }
0x83: {  	_ =	shalt  }
0x84: {  	_ =	shalt  }
0x85: {  	_ =	shalt  }
0x86: {  	_ =	shalt  }
0x87: {  	_ =	shalt  }
.Lfunc_end0:
.L_simem_size_0:
called_computation.1_lowered:
.L_overlay_start_0:
0x88: {  	s2 =	sld [smem:$0x3FD9]  }
0x89: {  	s3 =	sld [smem:$0x3FFE];
	_ =	sdelay $0x1  }
0x8a: {  	s1 =	srdreg.scid  }
0x8b: {  	s0 =	sand.u32 $0x1, s1  }
0x8c: {  	s17 =	sshll.u32 s0, $0xA;
	s2 =	sadd.s32 s3, s2  }
0x8d: {  	s2 =	sadd.s32 s2, s17  }
0x8e: {  	[smem:$0x3FB7] =	sst s2  }
0x8f: {  	_ = 	snop  }
0x90: {  	(tm) =	ssettm $0x1  }
0x91: {  	s18 =	sld [smem:$0x3FFB];
	_ =	sdelay $0x3  }
0x92: {  	_ =	strace s18  }
0x93: {  	s2 =	sld [smem:$0x3FFC];
	_ =	sdelay $0x3  }
0x94: {  	_ =	strace s2  }
0x95: {  	s2 =	sld [smem:$0x3FFD];
	_ =	sdelay $0x3  }
0x96: {  	_ =	strace s2  }
0x97: {  	_ =	strace $0x8FFFFFFF  }
0x98: {  	s19 =	sld [smem:$0x3FDB];
	_ =	sdelay $0x1  }
0x99: {  	s20 =	simm.s32 $_scs_section_size  }
0x9a: {  	s4 =	simm.s32 $_size__tile_overlayer_lowered;
	s5 =	simm.s32 $_tile_overlayer_lowered  }
0x9b: {  	s6 =	simm.s32 $0x1BFF;
	s21 =	sshll.u32 s5, $0x1;
	s3 =	sadd.s32 s20, s19  }
0x9c: {  	s22 =	simm.s32 $0x0;
	s4 =	sshll.u32 s4, $0x1;
	s5 =	sadd.s32 s21, s3  }
0x9d: {  	[timem:s22], [sflag:s6] =	dma.local [hbm:s5], s4  }
0x9e: {  	_ =	swait.ge [sflag:s6], s4  }
0x9f: {  	s4 =	ssub.s32 $0x0, s4;
	[sflag:s6] =	ssyncset.done $0x0  }
0xa0: {  	[sflag:s6] =	ssyncadd.s32 s4;
	_ =	sdelay $0x1  }
0xa1: {  	s23 =	simm.s32 $0x1B8B  }
0xa2: {  	_ =	swait.ge [sflag:s23], $0x1  }
0xa3: {  	[sflag:s23] =	ssyncset.done $0x0  }
0xa4: {  	[sflag:s23] =	ssyncadd.s32 $0xFFFFFFFF  }
0xa5: {  	s4 =	sld [smem:$0x0]  }
0xa6: {  	s5 =	sand.u32 $0xFFFFFFFE, s1  }
0xa7: {  	p0 =	sne.s32 s1, s5  }
0xa8: {  	s5 =	sshll.u32 @p0 s5, $0xE  }
0xa9: {  	s5 =	sadd.s32 @p0 $0x11B8D, s5;
	s6 =	sshll.u32 @p0 s4, $0x11  }
0xaa: {  	s5 =	sor.u32 @p0 s6, s5  }
0xab: {  	[sflag:s5] =	ssyncadd.remote.s32 @p0 $0x1;
	_ =	sdelay $0x1  }
0xac: {  	s5 =	simm.s32 @p0 $0x1B8D  }
0xad: {  	_ =	swait.eq @p0 [sflag:s5], $0x1  }
0xae: {  	[sflag:s5] =	ssyncadd.s32 @p0 $0xFFFFFFFF  }
0xaf: {  	s6 =	sshll.u32 @!p0 s1, $0xE  }
0xb0: {  	s6 =	sor.u32 @!p0 $0x4000, s6;
	s5 =	simm.s32 @!p0 $0x1B8D  }
0xb1: {  	s4 =	sshll.u32 @!p0 s4, $0x11;
	s6 =	sadd.s32 @!p0 $0x11B8D, s6;
	_ =	swait.eq @!p0 [sflag:s5], $0x1  }
0xb2: {  	s4 =	sor.u32 @!p0 s4, s6;
	[sflag:s5] =	ssyncadd.s32 @!p0 $0xFFFFFFFF  }
0xb3: {  	s25 =	simm.s32 $0x1B8E;
	s24 =	sld [smem:$0x3FFE];
	[sflag:s4] =	ssyncadd.remote.s32 @!p0 $0x1  }
0xb4: {  	s26 =	simm.s32 $execute0_lowered;
	[smem:$0x3FD2] =	sst s25  }
0xb5: {  	s5 =	sshll.u32 s26, $0x1;
	_ =	strace $0x8000004C;
	[dreg:$0x1] =	wrdreg $0xFFFFFFFF  }
0xb6: {  	s28 =	simm.s32 $_size_execute0_lowered;
	s3 =	sadd.s32 s3, s5;
	[dreg:$0x0] =	wrdreg $0x0  }
0xb7: {  	s5 =	sshll.u32 s28, $0x1;
	[dreg:$0x2] =	wrdreg s3  }
0xb8: {  	[dreg:$0x3] =	wrdreg s5  }
0xb9: {  	[dreg:$0x4] =	wrdreg $0xC0  }
0xba: {  	_ =	task [dreg:s22], $0x5FFFF  }
0xbb: {  	[dreg:$0x1] =	wrdreg $0xFFFFFFFF  }
0xbc: {  	[dreg:$0x0] =	wrdreg $0x60  }
0xbd: {  	[dreg:$0x2] =	wrdreg s24  }
0xbe: {  	[dreg:$0x3] =	wrdreg $0xA  }
0xbf: {  	_ =	task.clear_ibuf [dreg:s22], $0x4FFFF;
	_ =	strace $0x9000004C  }
0xc0: {  	s29 =	simm.s32 $0xA;
	_ =	strace $0x8000004E  }
0xc1: {  	_ =	swait.ge [sflag:s29], $0x1  }
0xc2: {  	[sflag:s29] =	ssyncadd.s32 $0xFFFFFFFF  }
0xc3: {  	_ =	strace $0x9000004E  }
0xc4: {  	_ =	sfence  }
0xc5: {  	s30 =	sld [smem:$0x0];
	_ =	sdelay $0x2  }
0xc6: {  	s31 =	sshll.u32 s1, $0xD;
	s1 =	sshrl.u32 s1, $0x2  }
0xc7: {  	s4 =	sand.u32 $0x4000, s31;
	s1 =	sadd.s32 s1, s30  }
0xc8: {  	s0 =	sor.u32 s4, s0;
	s1 =	sshll.u32 s1, $0x11  }
0xc9: {  	s0 =	sor.u32 s1, s0  }
0xca: {  	s0 =	sadd.s32 $0x8F2B, s0  }
0xcb: {  	[sflag:s0] =	ssyncadd.remote.s32 $0x1  }
0xcc: {  	_ =	sfence.sel $0xFFFF  }
0xcd: {  	[dreg:$0x0] =	wrdreg $0xFFFFFFFF;
	(pc) =	sbr.abs _section_cstart, $3  }
0xce: {  	[dreg:$0x1] =	wrdreg $0xFFFFFFFF  }
0xcf: {  	_ =	task.clear_ibuf [dreg:s22], $0x2FFFF;
	_ =	strace $0x9FFFFFFF  }
0xd0: {  	(tm) =	ssettm $0x7FFFFFFF  }
0xd1: {  	_ =	shalt  }
tec
execute0_lowered:
.L_overlay_start_1:
0x0: {  	(tag) =	ssettag $0x1  }
0x1: {  	s0 =	srdreg.scid  }
0x2: {  	s1 =	stileid.u32;
	s6 =	rddreg [dreg:$0x0];
	s2 =	simm.s32 $0x0  }
0x3: {  	s10 =	simm.s32 $0x3;
	s12 =	simm.s32 $0x2800;
	s13 =	simm.s32 $0x3000  }
0x4: {  	s14 =	simm.s32 $0x3800;
	s15 =	simm.s32 $0x4000;
	s16 =	simm.s32 $0x4800  }
0x5: {  	s17 =	simm.s32 $0x5000;
	s18 =	simm.s32 $0x5800;
	s19 =	simm.s32 $0x6000  }
0x6: {  	s20 =	simm.s32 $0x6800;
	s0 =	sand.u32 $0x1, s0;
	s1 =	sshll.u32 s1, $0x1  }
0x7: {  	s21 =	simm.s32 $0x7000;
	s22 =	simm.s32 $0x1;
	s1 =	sor.u32 s0, s1  }
0x8: {  	s23 =	simm.s32 $0x2;
	s24 =	simm.s32 $0x0;
	s3 =	smul.u32 $0x1388, s1  }
0x9: {  	s28 =	simm.s32 $0x0;
	[smem:$0x7FF] =	sst s2;
	s0 =	ssub.s32 $0x2, s0  }
0xa: {  	s4 =	sadd.s32 $0x53DC00, s6;
	s7 =	sshrl.u32 s0, $0x1;
	s1 =	sshrl.u32 s3, $0x3  }
0xb: {  	v2 =	vlaneseq.u32;
	s5 =	sadd.s32 $0x58BE00, s6;
	s0 =	ssub.s32 s0, s7;
	s1 =	sadd.s32 s1, s6  }
0xc: {  	vm0 =	vmmov $0xffff;
	v1 =	vshrl.u32 v2, $0x3;
	_ =	strace $0x8000004D;
	s9 =	smax.u32 s0, $0x1;
	s31 =	sadd.s32 $0x8A00, s1  }
0xd: {  	v0 =	vand.u32 $0x7, v2;
	v2 =	vor.u32 $0x8, v2;
	v1 =	vmul.u32 $0x8, v1;
	s6 =	sadd.s32 $0x676400, s6;
	s8 =	sadd.s32 $0x3A00, s1;
	[dreg:$0x2] =	wrdreg s31  }
.LBB2_1:
0xe: {  	s0 =	rddreg [dreg:$0x2]  }
0xf: {  	[tilespmem:s2], [sflag:$0x3] =	stream.linear.gather [hbm4b:s0+s2], $0x1388, $0x38;
	[tilespmem:$0x7800] =	vst v63  }
0x10: {  	_ =	swait.ge [sflag:s10], $0x1388  }
0x11: {  	[sflag:s10] =	ssyncset.done $0x0  }
0x12: {  	s31 =	simm.s32 $0x1400;
	[sflag:s10] =	ssyncadd.s32 $0xFFFFEC78  }
0x13: {  	[tilespmem:s31], [sflag:$0x3] =	stream.linear.gather [hbm4b:s8+s2], $0x1388, $0x38;
	[tilespmem:$0x7800] =	vst v63  }
0x14: {  	_ =	swait.ge [sflag:s10], $0x1388  }
0x15: {  	[sflag:s10] =	ssyncset.done $0x0  }
0x16: {  	s25 =	simm.s32 $0x0;
	[sflag:s10] =	ssyncadd.s32 $0xFFFFEC78  }
.LBB2_2:
0x17: {  	s26 =	smul.u32 $0x28, s25;
	_ =	sdelay $0x1  }
0x18: {  	v3 =	vld [tilespmem:s26+$0x0];
	_ =	sdelay $0x4  }
0x19: {  	v4 =	vshll.u32 v3, $0x1  }
0x1a: {  	v3 =	vand.u32 $0x7, v3;
	v4 =	vand.u32 $0xFFFFFFF0, v4  }
0x1b: {  	v3 =	vor.u32 v3, v4  }
0x1c: {  	v4 =	vperm.xlane v3, v0;
	_ =	sdelay $0x1  }
0x1d: {  	v3 =	vperm.xlane v3, v2;
	v4 =	vadd.s32 v1, v4;
	_ =	sdelay $0x1  }
0x1e: {  	v3 =	vadd.s32 v1, v3;
	_ =	sdelay $0x2  }
0x1f: {  	[tilespmem:s12], [sflag:$0x1] =	stream.indirect_vreg.gather [hbm4b:s4+s28], $0x80, v4, vm0, $0xb8;
	[tilespmem:$0x7800] =	vst v63  }
0x20: {  	_ = 	snop  }
0x21: {  	[tilespmem:s13], [sflag:$0x1] =	stream.indirect_vreg.gather [hbm4b:s4+s28], $0x80, v3, vm0, $0xb8;
	[tilespmem:$0x7800] =	vst v63  }
0x22: {  	v3 =	vld [tilespmem:s26+$0x10];
	_ =	sdelay $0x4  }
0x23: {  	v59 =	vshll.u32 v3, $0x1  }
0x24: {  	v3 =	vand.u32 $0x7, v3;
	v4 =	vand.u32 $0xFFFFFFF0, v59  }
0x25: {  	v3 =	vor.u32 v3, v4  }
0x26: {  	v4 =	vperm.xlane v3, v0;
	_ =	sdelay $0x1  }
0x27: {  	v3 =	vperm.xlane v3, v2;
	v4 =	vadd.s32 v1, v4;
	_ =	sdelay $0x1  }
0x28: {  	v3 =	vadd.s32 v1, v3;
	_ =	sdelay $0x2  }
0x29: {  	[tilespmem:s14], [sflag:$0x1] =	stream.indirect_vreg.gather [hbm4b:s4+s28], $0x80, v4, vm0, $0xb8;
	[tilespmem:$0x7800] =	vst v63  }
0x2a: {  	_ = 	snop  }
0x2b: {  	[tilespmem:s15], [sflag:$0x1] =	stream.indirect_vreg.gather [hbm4b:s4+s28], $0x80, v3, vm0, $0xb8;
	[tilespmem:$0x7800] =	vst v63  }
0x2c: {  	v3 =	vld.msk [tilespmem:s26+$0x20], $0xff;
	_ =	sdelay $0x4  }
0x2d: {  	v60 =	vshll.u32 v3, $0x1  }
0x2e: {  	v3 =	vand.u32 $0x7, v3;
	v4 =	vand.u32 $0xFFFFFFF0, v60  }
0x2f: {  	v3 =	vor.u32 v3, v4  }
0x30: {  	v3 =	vperm.xlane v3, v0;
	_ =	sdelay $0x1  }
0x31: {  	v3 =	vadd.s32 v1, v3;
	_ =	sdelay $0x4  }
0x32: {  	[tilespmem:s16], [sflag:$0x1] =	stream.indirect_vreg.gather [hbm4b:s4+s28], $0x80, v3, vm0, $0xb8;
	[tilespmem:$0x7800] =	vst v63  }
0x33: {  	v3 =	vld [tilespmem:s26+$0x1400];
	_ =	sdelay $0x4  }
0x34: {  	v61 =	vshll.u32 v3, $0x1  }
0x35: {  	v3 =	vand.u32 $0x7, v3;
	v4 =	vand.u32 $0xFFFFFFF0, v61  }
0x36: {  	v3 =	vor.u32 v3, v4  }
0x37: {  	v4 =	vperm.xlane v3, v0;
	_ =	sdelay $0x1  }
0x38: {  	v3 =	vperm.xlane v3, v2;
	v4 =	vadd.s32 v1, v4;
	_ =	sdelay $0x1  }
0x39: {  	v3 =	vadd.s32 v1, v3;
	_ =	sdelay $0x2  }
0x3a: {  	[tilespmem:s17], [sflag:$0x2] =	stream.indirect_vreg.gather [hbm4b:s5+s28], $0x80, v4, vm0, $0xb8;
	[tilespmem:$0x7800] =	vst v63  }
0x3b: {  	_ = 	snop  }
0x3c: {  	[tilespmem:s18], [sflag:$0x2] =	stream.indirect_vreg.gather [hbm4b:s5+s28], $0x80, v3, vm0, $0xb8;
	[tilespmem:$0x7800] =	vst v63  }
0x3d: {  	v3 =	vld [tilespmem:s26+$0x1410];
	_ =	sdelay $0x4  }
0x3e: {  	v62 =	vshll.u32 v3, $0x1  }
0x3f: {  	v3 =	vand.u32 $0x7, v3;
	v4 =	vand.u32 $0xFFFFFFF0, v62  }
0x40: {  	v3 =	vor.u32 v3, v4  }
0x41: {  	v4 =	vperm.xlane v3, v0;
	_ =	sdelay $0x1  }
0x42: {  	v3 =	vperm.xlane v3, v2;
	v4 =	vadd.s32 v1, v4;
	_ =	sdelay $0x1  }
0x43: {  	v3 =	vadd.s32 v1, v3;
	_ =	sdelay $0x2  }
0x44: {  	[tilespmem:s19], [sflag:$0x2] =	stream.indirect_vreg.gather [hbm4b:s5+s28], $0x80, v4, vm0, $0xb8;
	[tilespmem:$0x7800] =	vst v63  }
0x45: {  	_ = 	snop  }
0x46: {  	[tilespmem:s20], [sflag:$0x2] =	stream.indirect_vreg.gather [hbm4b:s5+s28], $0x80, v3, vm0, $0xb8;
	[tilespmem:$0x7800] =	vst v63  }
0x47: {  	v3 =	vld.msk [tilespmem:s26+$0x1420], $0xff;
	_ =	sdelay $0x4  }
0x48: {  	v63 =	vshll.u32 v3, $0x1  }
0x49: {  	v3 =	vand.u32 $0x7, v3;
	v4 =	vand.u32 $0xFFFFFFF0, v63  }
0x4a: {  	v3 =	vor.u32 v3, v4  }
0x4b: {  	v3 =	vperm.xlane v3, v0;
	_ =	sdelay $0x1  }
0x4c: {  	v3 =	vadd.s32 v1, v3;
	_ =	sdelay $0x4  }
0x4d: {  	[tilespmem:s21], [sflag:$0x2] =	stream.indirect_vreg.gather [hbm4b:s5+s28], $0x80, v3, vm0, $0xb8;
	[tilespmem:$0x7800] =	vst v63  }
0x4e: {  	_ =	swait.ge [sflag:s22], $0x2800  }
0x4f: {  	[sflag:s22] =	ssyncset.done $0x0  }
0x50: {  	[sflag:s22] =	ssyncadd.s32 $0xFFFFD800  }
0x51: {  	_ =	swait.ge [sflag:s23], $0x2800  }
0x52: {  	[sflag:s23] =	ssyncset.done $0x0  }
0x53: {  	s29 =	simm.s32 $0x0;
	[sflag:s23] =	ssyncadd.s32 $0xFFFFD800  }
.LBB2_3:
0x54: {  	s0 =	sshll.u32 s29, $0x8;
	s1 =	sshll.u32 s29, $0x7  }
0x55: {  	s0 =	sand.u32 $0x3800, s0;
	s1 =	sand.u32 $0x380, s1  }
0x56: {  	s30 =	sor.u32 s0, s1;
	s1 =	sand.u32 $0x400, s28  }
0x57: {  	s7 =	sand.u32 $0x70, s28;
	s0 =	sor.u32 s1, s30  }
0x58: {  	s31 =	sor.u32 s7, s0  }
0x59: {  	v3 =	vld [tilespmem:s31+$0x5000]  }
0x5a: {  	v4 =	vld [tilespmem:s31+$0x2800];
	_ =	sdelay $0x2  }
0x5b: {  	s1 =	simm.s32 $0x80  }
0x5c: {  	s11 =	simm.s32 $0x10;
	s7 =	sand.u32 $0x400, s1  }
0x5d: {  	s11 =	sand.u32 $0x70, s11;
	s0 =	simm.s32 $0x20;
	s7 =	sor.u32 s7, s30;
	v3 =	vadd.f32 v3, v4  }
.LBB2_4:
0x5e: {  	p0 =	sne.s32 s0, $0xF0;
	s7 =	sor.u32 s11, s7  }
0x5f: {  	v4 =	vld [tilespmem:s7+$0x5000];
	[tilespmem:s31+$0x2800] =	vst v3;
	s31 =	smov.u32 s7  }
0x60: {  	v3 =	vld [tilespmem:s31+$0x2800]  }
.Ltmp0:
0x61: {  	(pc) =	sbr.rel @p0 .LBB2_4-.Ltmp0, $4  }
0x62: {  	_ = 	snop  }
0x63: {  	s1 =	sadd.s32 $0x80, s1  }
0x64: {  	s7 =	sand.u32 $0x400, s1  }
0x65: {  	s11 =	sand.u32 $0x70, s0;
	s0 =	sadd.s32 $0x10, s0;
	s7 =	sor.u32 s7, s30;
	v3 =	vadd.f32 v4, v3  }
0x66: {  	s0 =	sor.u32 s11, s7  }
0x67: {  	v4 =	vld [tilespmem:s0+$0x5000];
	[tilespmem:s31+$0x2800] =	vst v3  }
0x68: {  	v3 =	vld [tilespmem:s0+$0x2800]  }
0x69: {  	s29 =	sadd.s32 $0x1, s29  }
0x6a: {  	p0 =	sne.s32 s29, $0x28  }
.Ltmp1:
0x6b: {  	_ = 	snop;
	(pc) =	sbr.rel @p0 .LBB2_3-.Ltmp1, $3  }
0x6c: {  	_ = 	snop  }
0x6d: {  	v3 =	vadd.f32 v4, v3;
	_ =	sdelay $0x1  }
0x6e: {  	[tilespmem:s0+$0x2800] =	vst v3  }
0x6f: {  	s0 =	sadd.s32 s3, s26;
	s25 =	sadd.s32 $0x1, s25  }
0x70: {  	s0 =	sshll.u32 s0, $0x5;
	p0 =	sne.s32 s25, $0x7D  }
.Ltmp2:
0x71: {  	s0 =	sadd.s32 s6, s0;
	(pc) =	sbr.rel @p0 .LBB2_2-.Ltmp2, $4  }
0x72: {  	[hbm4b:s0+s2] =	stream.linear.scatter [tilespmem:s12], [sflag:$0x3], $0x2800, $0x38;
	[tilespmem:$0x7800] =	vst v63  }
0x73: {  	_ =	swait.ge [sflag:s10], $0x2800  }
0x74: {  	[sflag:s10] =	ssyncset.done $0x0  }
0x75: {  	[sflag:s10] =	ssyncadd.s32 $0xFFFFD800  }
0x76: {  	s24 =	sadd.s32 $0x1, s24  }
0x77: {  	p0 =	sne.s32 s24, s9  }
.Ltmp3:
0x78: {  	_ = 	snop;
	(pc) =	sbr.rel @p0 .LBB2_1-.Ltmp3, $1  }
0x79: {  	_ =	sdelay $0x3  }
0x7a: {  	_ =	sfence.sel $0x180000  }
0x7b: {  	[bflag:$0x0] =	sbarrier.arrive $0xFFFF  }
0x7c: {  	_ =	strace $0x9000004D  }
0x7d: {  	s0 =	stileid.u32;
	[bflag:$0x2] =	sbarrier.arrive $0xFFFF  }
0x7e: {  	p0 =	sne.s32 s0, $0x0;
	s0 =	rddreg [dreg:$0x1]  }
0x7f: {  	s0 =	sadd.s32 @!p0 $0x100000, s0  }
0x80: {  	[sflag:s0] =	ssyncadd.tile.s32 @!p0 $0x1;
	_ =	shalt  }
.Lfunc_end2:
_tile_overlayer_lowered:
.L_overlay_start_2:
0x81: {  	(tag) =	ssettag $0x2  }
0x82: {  	s0 =	rddreg [dreg:$0x0];
	s2 =	stileid.u32  }
0x83: {  	s1 =	rddreg [dreg:$0x1];
	p0 =	sne.s32 s2, $0x0  }
0x84: {  	s3 =	rddreg [dreg:$0x2];
	[bflag:$0x3] =	sbarrier.arrive $0xFFFF;
	s2 =	simm.s32 @!p0 $0x1C03  }
0x85: {  	[timem:s3], [sflag:s2] =	dma.local @!p0 [hbm:s0], s1  }
0x86: {  	s0 =	simm.s32 @!p0 $0x3  }
0x87: {  	_ =	swait.ge @!p0 [sflag:s0], s1  }
0x88: {  	s1 =	ssub.s32 @!p0 $0x0, s1;
	[sflag:s0] =	ssyncset.done @!p0 $0x0  }
0x89: {  	[sflag:s0] =	ssyncadd.s32 @!p0 s1  }
0x8a: {  	[bflag:$0x3] =	sbarrier.arrive $0xFFFF  }
0x8b: {  	_ =	shalt  }

// kernel: kernel.18.cloned.1.call-start
scs
__scs_entry_jumppad:
0x0: {  	(pc) =	sbr.rel $0x88, $3  }
0x1: {  	(tag) =	ssettag $0x0;
	lr =	simm.s32 $0x1  }
0x2: {  	[smem:$0x3F90] =	sst lr;
	_ =	strace $0xD0000000  }
0x3: {  	_ = 	snop  }
0x4: {  	_ = 	snop  }
0x5: {  	_ = 	snop  }
0x6: {  	_ = 	snop  }
0x7: {  	_ = 	snop  }
__scs_overlays_trampoline_lowered:
0x8: {  	[smem:$0x3F9F] =	sst s0  }
0x9: {  	[smem:$0x3FA0] =	sst s1  }
0xa: {  	[smem:$0x3FA1] =	sst s2  }
0xb: {  	[smem:$0x3FA2] =	sst s3  }
0xc: {  	[smem:$0x3FA3] =	sst s4  }
0xd: {  	[smem:$0x3FA4] =	sst s5  }
0xe: {  	[smem:$0x3FA5] =	sst s6  }
0xf: {  	[smem:$0x3FA6] =	sst s7  }
0x10: {  	[smem:$0x3FA7] =	sst s8  }
0x11: {  	[smem:$0x3FA8] =	sst s9;
	s0 =	simm.s32 @!p0 $0x0  }
0x12: {  	s1 =	sld [smem:$0x3F8E];
	s0 =	simm.s32 @p0 $0x1  }
0x13: {  	[smem:$0x3FA9] =	sst s0;
	s0 =	simm.s32 @!p1 $0x0  }
0x14: {  	s2 =	sld [smem:$0x3F8D];
	s0 =	simm.s32 @p1 $0x1  }
0x15: {  	[smem:$0x3FAA] =	sst s0;
	s0 =	simm.s32 @!p2 $0x0  }
0x16: {  	s3 =	sld [smem:$0x3FDB];
	s0 =	simm.s32 @p2 $0x1  }
0x17: {  	s4 =	simm.s32 $0x1BF5;
	[smem:$0x3FAC] =	sst s0  }
0x18: {  	s0 =	sld [smem:$0x3F8F];
	_ =	swait.ge [sflag:s4], $0x0  }
0x19: {  	s7 =	sld [smem:$0x3F90]  }
0x1a: {  	s8 =	sadd.s32 $0xFFFFE003, lr  }
0x1b: {  	s9 =	sadd.s32 $0xFFFFFEF7, lr;
	s5 =	simm.s32 $0xFFFFFFFF;
	p2 =	slt.u32 s8, $0xFFFFF086  }
0x1c: {  	p1 =	slt.u32 s9, $0xF7A;
	s5 =	simm.s32 @!p2 $0x0  }
0x1d: {  	s5 =	simm.s32 @p1 $0x1;
	p0 =	seq.s32 s7, s2  }
0x1e: {  	s7 =	smul.u32 @!p0 $0xF7A, s2;
	p2 =	seq.s32 @!p0 s5, $0x0  }
0x1f: {  	s9 =	smul.u32 $0xF7A, s1;
	s8 =	simm.s32 @!p0 $0x1BF5;
	p2 =	por !p2, p0  }
0x20: {  	[sflag:s8] =	ssyncset.s32 @!p0 $0xFFFFF086;
	s6 =	sadd.s32 @!p0 s3, s7;
	s7 =	simm.s32 @!p0 $0x108  }
0x21: {  	s3 =	sadd.s32 s3, s9;
	s6 =	sadd.s32 @!p0 $0x88, s6;
	s7 =	simm.s32 @p2 $0x1082  }
0x22: {  	[simem:s7], [sflag:s8] =	dma.local @!p0 [hbm:s6], $0xF7A  }
0x23: {  	s9 =	sor.u32 $0xD0000000, s2;
	s6 =	simm.s32 $0x108;
	_ =	swait.ge @!p0 [sflag:s8], $0x0  }
0x24: {  	s3 =	sadd.s32 $0x88, s3;
	s6 =	simm.s32 @!p1 $0x1082;
	[sflag:s4] =	ssyncset.s32 $0xFFFFF086  }
0x25: {  	[simem:s6], [sflag:s4] =	dma.local [hbm:s3], $0xF7A  }
0x26: {  	[smem:$0x3F90] =	sst s1;
	(tag) =	ssettag s2;
	_ =	strace s9  }
0x27: {  	s1 =	sld [smem:$0x3FA0]  }
0x28: {  	s2 =	sld [smem:$0x3FA1]  }
0x29: {  	s4 =	sld [smem:$0x3FA3]  }
0x2a: {  	p0 =	seq.s32 s5, $0x0;
	s5 =	sld [smem:$0x3FA4]  }
0x2b: {  	s6 =	sld [smem:$0x3FA5]  }
0x2c: {  	s7 =	sld [smem:$0x3FA6]  }
0x2d: {  	s3 =	simm.s32 $0x108;
	s8 =	sld [smem:$0x3FA7]  }
0x2e: {  	s3 =	simm.s32 @!p0 $0x1082;
	s9 =	sld [smem:$0x3FA8]  }
0x2f: {  	lr =	sadd.s32 s0, s3;
	s0 =	sld [smem:$0x3F9F]  }
0x30: {  	s3 =	sld [smem:$0x3FA2]  }
0x31: {  	[smem:$0x3FAB] =	sst s10  }
0x32: {  	s10 =	sld [smem:$0x3FA9];
	_ =	sdelay $0x3  }
0x33: {  	p0 =	seq.s32 s10, $0x1;
	s10 =	sld [smem:$0x3FAB];
	_ =	sdelay $0x3  }
0x34: {  	[smem:$0x3FAB] =	sst s10  }
0x35: {  	s10 =	sld [smem:$0x3FAA];
	_ =	sdelay $0x3  }
0x36: {  	p1 =	seq.s32 s10, $0x1;
	s10 =	sld [smem:$0x3FAB];
	_ =	sdelay $0x3  }
0x37: {  	[smem:$0x3FAB] =	sst s10  }
0x38: {  	s10 =	sld [smem:$0x3FAC]  }
0x39: {  	_ = 	snop;
	(pc) =	sbr.ind lr, $3  }
0x3a: {  	_ = 	snop  }
0x3b: {  	_ = 	snop  }
0x3c: {  	p2 =	seq.s32 s10, $0x1;
	s10 =	sld [smem:$0x3FAB]  }
0x3d: {  	_ =	shalt  }
0x3e: {  	_ =	shalt  }
0x3f: {  	_ =	shalt  }
0x40: {  	_ =	shalt  }
0x41: {  	_ =	shalt  }
0x42: {  	_ =	shalt  }
0x43: {  	_ =	shalt  }
0x44: {  	_ =	shalt  }
0x45: {  	_ =	shalt  }
0x46: {  	_ =	shalt  }
0x47: {  	_ =	shalt  }
0x48: {  	_ =	shalt  }
0x49: {  	_ =	shalt  }
0x4a: {  	_ =	shalt  }
0x4b: {  	_ =	shalt  }
0x4c: {  	_ =	shalt  }
0x4d: {  	_ =	shalt  }
0x4e: {  	_ =	shalt  }
0x4f: {  	_ =	shalt  }
0x50: {  	_ =	shalt  }
0x51: {  	_ =	shalt  }
0x52: {  	_ =	shalt  }
0x53: {  	_ =	shalt  }
0x54: {  	_ =	shalt  }
0x55: {  	_ =	shalt  }
0x56: {  	_ =	shalt  }
0x57: {  	_ =	shalt  }
0x58: {  	_ =	shalt  }
0x59: {  	_ =	shalt  }
0x5a: {  	_ =	shalt  }
0x5b: {  	_ =	shalt  }
0x5c: {  	_ =	shalt  }
0x5d: {  	_ =	shalt  }
0x5e: {  	_ =	shalt  }
0x5f: {  	_ =	shalt  }
0x60: {  	_ =	shalt  }
0x61: {  	_ =	shalt  }
0x62: {  	_ =	shalt  }
0x63: {  	_ =	shalt  }
0x64: {  	_ =	shalt  }
0x65: {  	_ =	shalt  }
0x66: {  	_ =	shalt  }
0x67: {  	_ =	shalt  }
0x68: {  	_ =	shalt  }
0x69: {  	_ =	shalt  }
0x6a: {  	_ =	shalt  }
0x6b: {  	_ =	shalt  }
0x6c: {  	_ =	shalt  }
0x6d: {  	_ =	shalt  }
0x6e: {  	_ =	shalt  }
0x6f: {  	_ =	shalt  }
0x70: {  	_ =	shalt  }
0x71: {  	_ =	shalt  }
0x72: {  	_ =	shalt  }
0x73: {  	_ =	shalt  }
0x74: {  	_ =	shalt  }
0x75: {  	_ =	shalt  }
0x76: {  	_ =	shalt  }
0x77: {  	_ =	shalt  }
0x78: {  	_ =	shalt  }
0x79: {  	_ =	shalt  }
0x7a: {  	_ =	shalt  }
0x7b: {  	_ =	shalt  }
0x7c: {  	_ =	shalt  }
0x7d: {  	_ =	shalt  }
0x7e: {  	_ =	shalt  }
0x7f: {  	_ =	shalt  }
0x80: {  	_ =	shalt  }
0x81: {  	_ =	shalt  }
0x82: {  	_ =	shalt  }
0x83: {  	_ =	shalt  }
0x84: {  	_ =	shalt  }
0x85: {  	_ =	shalt  }
0x86: {  	_ =	shalt  }
0x87: {  	_ =	shalt  }
.Lfunc_end0:
.L_simem_size_0:
called_computation.2_lowered:
.L_overlay_start_0:
0x88: {  	s2 =	sld [smem:$0x3FD9]  }
0x89: {  	s3 =	sld [smem:$0x3FFE];
	_ =	sdelay $0x1  }
0x8a: {  	s1 =	srdreg.scid  }
0x8b: {  	s0 =	sand.u32 $0x1, s1  }
0x8c: {  	s17 =	sshll.u32 s0, $0xA;
	s2 =	sadd.s32 s3, s2  }
0x8d: {  	s2 =	sadd.s32 s2, s17  }
0x8e: {  	[smem:$0x3FB7] =	sst s2  }
0x8f: {  	_ = 	snop  }
0x90: {  	(tm) =	ssettm $0x1  }
0x91: {  	s18 =	sld [smem:$0x3FFB];
	_ =	sdelay $0x3  }
0x92: {  	_ =	strace s18  }
0x93: {  	s2 =	sld [smem:$0x3FFC];
	_ =	sdelay $0x3  }
0x94: {  	_ =	strace s2  }
0x95: {  	s2 =	sld [smem:$0x3FFD];
	_ =	sdelay $0x3  }
0x96: {  	_ =	strace s2  }
0x97: {  	_ =	strace $0x8FFFFFFF  }
0x98: {  	s19 =	sld [smem:$0x3FDB];
	_ =	sdelay $0x1  }
0x99: {  	s20 =	simm.s32 $_scs_section_size  }
0x9a: {  	s4 =	simm.s32 $_size__tile_overlayer_lowered;
	s5 =	simm.s32 $_tile_overlayer_lowered  }
0x9b: {  	s6 =	simm.s32 $0x1BFF;
	s21 =	sshll.u32 s5, $0x1;
	s3 =	sadd.s32 s20, s19  }
0x9c: {  	s22 =	simm.s32 $0x0;
	s4 =	sshll.u32 s4, $0x1;
	s5 =	sadd.s32 s21, s3  }
0x9d: {  	[timem:s22], [sflag:s6] =	dma.local [hbm:s5], s4  }
0x9e: {  	_ =	swait.ge [sflag:s6], s4  }
0x9f: {  	s4 =	ssub.s32 $0x0, s4;
	[sflag:s6] =	ssyncset.done $0x0  }
0xa0: {  	[sflag:s6] =	ssyncadd.s32 s4;
	_ =	sdelay $0x1  }
0xa1: {  	s23 =	simm.s32 $0x1B8B  }
0xa2: {  	_ =	swait.ge [sflag:s23], $0x1  }
0xa3: {  	[sflag:s23] =	ssyncset.done $0x0  }
0xa4: {  	[sflag:s23] =	ssyncadd.s32 $0xFFFFFFFF  }
0xa5: {  	s4 =	sld [smem:$0x0]  }
0xa6: {  	s5 =	sand.u32 $0xFFFFFFFE, s1  }
0xa7: {  	p0 =	sne.s32 s1, s5  }
0xa8: {  	s5 =	sshll.u32 @p0 s5, $0xE  }
0xa9: {  	s5 =	sadd.s32 @p0 $0x11B8D, s5;
	s6 =	sshll.u32 @p0 s4, $0x11  }
0xaa: {  	s5 =	sor.u32 @p0 s6, s5  }
0xab: {  	[sflag:s5] =	ssyncadd.remote.s32 @p0 $0x1;
	_ =	sdelay $0x1  }
0xac: {  	s5 =	simm.s32 @p0 $0x1B8D  }
0xad: {  	_ =	swait.eq @p0 [sflag:s5], $0x1  }
0xae: {  	[sflag:s5] =	ssyncadd.s32 @p0 $0xFFFFFFFF  }
0xaf: {  	s6 =	sshll.u32 @!p0 s1, $0xE  }
0xb0: {  	s6 =	sor.u32 @!p0 $0x4000, s6;
	s5 =	simm.s32 @!p0 $0x1B8D  }
0xb1: {  	s4 =	sshll.u32 @!p0 s4, $0x11;
	s6 =	sadd.s32 @!p0 $0x11B8D, s6;
	_ =	swait.eq @!p0 [sflag:s5], $0x1  }
0xb2: {  	s4 =	sor.u32 @!p0 s4, s6;
	[sflag:s5] =	ssyncadd.s32 @!p0 $0xFFFFFFFF  }
0xb3: {  	s25 =	simm.s32 $0x1B8E;
	s24 =	sld [smem:$0x3FFE];
	[sflag:s4] =	ssyncadd.remote.s32 @!p0 $0x1  }
0xb4: {  	s26 =	simm.s32 $execute0_lowered;
	[smem:$0x3FD2] =	sst s25  }
0xb5: {  	s5 =	sshll.u32 s26, $0x1;
	_ =	strace $0x80000049;
	[dreg:$0x1] =	wrdreg $0xFFFFFFFF  }
0xb6: {  	s28 =	simm.s32 $_size_execute0_lowered;
	s3 =	sadd.s32 s3, s5;
	[dreg:$0x0] =	wrdreg $0x0  }
0xb7: {  	s5 =	sshll.u32 s28, $0x1;
	[dreg:$0x2] =	wrdreg s3  }
0xb8: {  	[dreg:$0x3] =	wrdreg s5  }
0xb9: {  	[dreg:$0x4] =	wrdreg $0xC0  }
0xba: {  	_ =	task [dreg:s22], $0x5FFFF  }
0xbb: {  	[dreg:$0x1] =	wrdreg $0xFFFFFFFF  }
0xbc: {  	[dreg:$0x0] =	wrdreg $0x60  }
0xbd: {  	[dreg:$0x2] =	wrdreg s24  }
0xbe: {  	[dreg:$0x3] =	wrdreg $0xC4000  }
0xbf: {  	[dreg:$0x4] =	wrdreg $0xB  }
0xc0: {  	_ =	task.clear_ibuf [dreg:s22], $0x5FFFF;
	_ =	strace $0x90000049  }
0xc1: {  	s29 =	simm.s32 $0xB;
	_ =	strace $0x8000004B  }
0xc2: {  	_ =	swait.ge [sflag:s29], $0x1  }
0xc3: {  	[sflag:s29] =	ssyncadd.s32 $0xFFFFFFFF  }
0xc4: {  	_ =	strace $0x9000004B  }
0xc5: {  	_ =	sfence  }
0xc6: {  	s30 =	sld [smem:$0x0];
	_ =	sdelay $0x2  }
0xc7: {  	s31 =	sshll.u32 s1, $0xD;
	s1 =	sshrl.u32 s1, $0x2  }
0xc8: {  	s4 =	sand.u32 $0x4000, s31;
	s1 =	sadd.s32 s1, s30  }
0xc9: {  	s0 =	sor.u32 s4, s0;
	s1 =	sshll.u32 s1, $0x11  }
0xca: {  	s0 =	sor.u32 s1, s0  }
0xcb: {  	s0 =	sadd.s32 $0x8F2B, s0  }
0xcc: {  	[sflag:s0] =	ssyncadd.remote.s32 $0x1  }
0xcd: {  	_ =	sfence.sel $0xFFFF  }
0xce: {  	[dreg:$0x0] =	wrdreg $0xFFFFFFFF;
	(pc) =	sbr.abs _section_cstart, $3  }
0xcf: {  	[dreg:$0x1] =	wrdreg $0xFFFFFFFF  }
0xd0: {  	_ =	task.clear_ibuf [dreg:s22], $0x2FFFF;
	_ =	strace $0x9FFFFFFF  }
0xd1: {  	(tm) =	ssettm $0x7FFFFFFF  }
tec
execute0_lowered:
.L_overlay_start_1:
0x0: {  	(tag) =	ssettag $0x1  }
0x1: {  	s0 =	rddreg [dreg:$0x0]  }
0x2: {  	s1 =	rddreg [dreg:$0x1];
	s2 =	srdreg.scid;
	s3 =	simm.s32 $0x0  }
0x3: {  	s17 =	simm.s32 $0x6000;
	s18 =	simm.s32 $0x2;
	s19 =	simm.s32 $0x800  }
0x4: {  	s20 =	simm.s32 $0x50;
	s21 =	simm.s32 $0x1000;
	s10 =	sand.u32 $0x1, s2  }
0x5: {  	s23 =	simm.s32 $0x3800;
	s2 =	stileid.u32;
	s4 =	smul.u32 $0x27100, s10  }
0x6: {  	[smem:$0x7FF] =	sst s3;
	s5 =	sadd.s32 $0x8A00, s0;
	s8 =	smul.u32 $0x3E80, s2  }
0x7: {  	s6 =	sadd.s32 $0x3A00, s0;
	s7 =	sadd.s32 $0x5DA000, s0;
	s11 =	smul.u32 $0x7D000, s2  }
0x8: {  	_ =	strace $0x8000004A;
	s12 =	ssub.s32 $0x2, s10;
	s22 =	smul.u32 $0x2710, s10  }
0x9: {  	p0 =	slt.u32 s2, $0xA;
	p1 =	sgt.u32 s2, $0x9;
	s13 =	sshrl.u32 s12, $0x1  }
0xa: {  	s9 =	sadd.s32 s8, s4;
	s8 =	sadd.s32 $0x5BC00, s0;
	s11 =	sshrl.u32 s11, $0x2  }
0xb: {  	s12 =	ssub.s32 s12, s13;
	v0 =	vmov s22;
	s22 =	simm.s32 $0x1;
	s0 =	sadd.s32 s9, s0  }
0xc: {  	s9 =	smul.u32 $0x2710, s2;
	s10 =	sadd.s32 s11, s1;
	s12 =	smax.u32 s12, $0x1  }
0xd: {  	s11 =	sadd.s32 $0x628200, s0;
	s31 =	sadd.s32 $0x6400, s10;
	s14 =	sadd.s32 $0xC800, s10  }
0xe: {  	v1 =	vimm.f32 $0.0e+00;
	s15 =	sadd.s32 $0x12C00, s10;
	s16 =	sadd.s32 $0x19000, s10;
	[dreg:$0x3] =	wrdreg s31  }
.LBB2_1:
.Ltmp0:
0xf: {  	(pc) =	sbr.rel @!p0 .LBB2_5-.Ltmp0, $2  }
0x10: {  	_ =	sdelay $0x2  }
0x11: {  	s24 =	simm.s32 $0x1C0  }
0x12: {  	s0 =	sshra.s32 s24, $0x2;
	s24 =	sadd.s32 $0x200, s24  }
.LBB2_3:
0x13: {  	p2 =	seq.s32 s24, $0x18FC0;
	[tilespmem:s0+$0x6000] =	vst v1  }
0x14: {  	[tilespmem:s0+$0x5F90] =	vst v1  }
0x15: {  	[tilespmem:s0+$0x5FA0] =	vst v1  }
.Ltmp1:
0x16: {  	[tilespmem:s0+$0x5FB0] =	vst v1;
	(pc) =	sbr.rel @!p2 .LBB2_3-.Ltmp1, $4  }
0x17: {  	[tilespmem:s0+$0x5FC0] =	vst v1  }
0x18: {  	[tilespmem:s0+$0x5FD0] =	vst v1  }
0x19: {  	[tilespmem:s0+$0x5FE0] =	vst v1  }
0x1a: {  	[tilespmem:s0+$0x5FF0] =	vst v1;
	s0 =	sshra.s32 s24, $0x2;
	s24 =	sadd.s32 $0x200, s24  }
0x1b: {  	[tilespmem:s0+$0x6000] =	vst v1  }
0x1c: {  	[tilespmem:s0+$0x5F90] =	vst v1  }
0x1d: {  	[tilespmem:s0+$0x5FA0] =	vst v1  }
0x1e: {  	[tilespmem:s0+$0x5FB0] =	vst v1  }
0x1f: {  	[tilespmem:s0+$0x5FC0] =	vst v1  }
0x20: {  	[tilespmem:s0+$0x5FD0] =	vst v1  }
0x21: {  	[tilespmem:s0+$0x5FE0] =	vst v1  }
0x22: {  	[tilespmem:s0+$0x5FF0] =	vst v1  }
0x23: {  	[spmem:s10] =	stream.linear.scatter [tilespmem:s17], [sflag:$0x2], $0x6400, $0x38;
	[tilespmem:$0x1FC80] =	vst v63  }
0x24: {  	_ =	swait.ge [sflag:s18], $0x6400  }
0x25: {  	[sflag:s18] =	ssyncset.done $0x0  }
0x26: {  	s31 =	rddreg [dreg:$0x3];
	[sflag:s18] =	ssyncadd.s32 $0xFFFF9C00  }
0x27: {  	[spmem:s31] =	stream.linear.scatter [tilespmem:s17], [sflag:$0x2], $0x6400, $0x38;
	[tilespmem:$0x1FC80] =	vst v63  }
0x28: {  	_ =	swait.ge [sflag:s18], $0x6400  }
0x29: {  	[sflag:s18] =	ssyncset.done $0x0  }
0x2a: {  	[sflag:s18] =	ssyncadd.s32 $0xFFFF9C00  }
0x2b: {  	[spmem:s14] =	stream.linear.scatter [tilespmem:s17], [sflag:$0x2], $0x6400, $0x38;
	[tilespmem:$0x1FC80] =	vst v63  }
0x2c: {  	_ =	swait.ge [sflag:s18], $0x6400  }
0x2d: {  	[sflag:s18] =	ssyncset.done $0x0  }
0x2e: {  	[sflag:s18] =	ssyncadd.s32 $0xFFFF9C00  }
0x2f: {  	[spmem:s15] =	stream.linear.scatter [tilespmem:s17], [sflag:$0x2], $0x6400, $0x38;
	[tilespmem:$0x1FC80] =	vst v63  }
0x30: {  	_ =	swait.ge [sflag:s18], $0x6400  }
0x31: {  	[sflag:s18] =	ssyncset.done $0x0  }
0x32: {  	[sflag:s18] =	ssyncadd.s32 $0xFFFF9C00  }
0x33: {  	[spmem:s16] =	stream.linear.scatter [tilespmem:s17], [sflag:$0x2], $0x6400, $0x38;
	[tilespmem:$0x1FC80] =	vst v63  }
0x34: {  	_ =	swait.ge [sflag:s18], $0x6400  }
0x35: {  	[sflag:s18] =	ssyncset.done $0x0  }
0x36: {  	[sflag:s18] =	ssyncadd.s32 $0xFFFF9C00  }
.LBB2_5:
0x37: {  	[bflag:$0x0] =	sbarrier.arrive $0xFFFF;
	s24 =	simm.s32 $0x0;
	s25 =	simm.s32 $0x0  }
.LBB2_6:
0x38: {  	s0 =	smul.u32 $0x7D0, s25;
	_ =	sdelay $0x1  }
0x39: {  	s0 =	sadd.s32 s9, s0  }
0x3a: {  	s26 =	sshrl.u32 s0, $0x3  }
0x3b: {  	s28 =	sadd.s32 s5, s26  }
0x3c: {  	[tilespmem:s24], [sflag:$0x2] =	stream.linear.gather [hbm4b:s28+s24], $0x7D0, $0x38;
	[tilespmem:$0x1FC80] =	vst v63  }
0x3d: {  	_ =	swait.ge [sflag:s18], $0x7D0  }
0x3e: {  	[sflag:s18] =	ssyncset.done $0x0  }
0x3f: {  	s26 =	sadd.s32 s6, s26;
	[sflag:s18] =	ssyncadd.s32 $0xFFFFF830  }
0x40: {  	[tilespmem:s19], [sflag:$0x2] =	stream.linear.gather [hbm4b:s26+s24], $0x7D0, $0x38;
	[tilespmem:$0x1FC80] =	vst v63  }
0x41: {  	_ =	swait.ge [sflag:s18], $0x7D0  }
0x42: {  	[sflag:s18] =	ssyncset.done $0x0  }
0x43: {  	s28 =	simm.s32 $0x40;
	s26 =	simm.s32 $0x0;
	[sflag:s18] =	ssyncadd.s32 $0xFFFFF830  }
.LBB2_7:
0x44: {  	p2 =	seq.s32 s28, $0x1F00;
	v2 =	vld [tilespmem:s26+$0x800];
	_ =	sdelay $0x1  }
.Ltmp2:
0x45: {  	(pc) =	sbr.rel @!p2 .LBB2_7-.Ltmp2, $3  }
0x46: {  	_ =	sdelay $0x1  }
0x47: {  	v2 =	vadd.s32 v0, v2  }
0x48: {  	[tilespmem:s26+$0x800] =	vst v2;
	s26 =	sshra.s32 s28, $0x2;
	s28 =	sadd.s32 $0x40, s28  }
0x49: {  	v2 =	vld [tilespmem:s26+$0x800];
	_ =	sdelay $0x4  }
0x4a: {  	v2 =	vadd.s32 v0, v2  }
0x4b: {  	s28 =	simm.s32 $0x0;
	s29 =	simm.s32 $0x0;
	[tilespmem:s26+$0x800] =	vst v2;
	s26 =	sadd.s32 s4, s0  }
.LBB2_9:
0x4c: {  	s30 =	smul.u32 $0x50, s29;
	_ =	sdelay $0x1  }
0x4d: {  	s0 =	sadd.s32 $0x800, s30  }
0x4e: {  	[tilespmem:s21], [sflag:$0x1] =	stream.indirect.gather [hbm4b:s7+s20], $0x80, s0, s20, $0xb8;
	[tilespmem:$0x1FC80] =	vst v63  }
0x4f: {  	s13 =	sadd.s32 s30, s26;
	_ =	swait.ge [sflag:s22], $0x2800  }
0x50: {  	s0 =	sshll.u32 s13, $0x4;
	[sflag:s22] =	ssyncset.done $0x0  }
0x51: {  	s0 =	sadd.s32 s8, s0;
	[sflag:s22] =	ssyncadd.s32 $0xFFFFD800  }
0x52: {  	[tilespmem:s23], [sflag:$0x2] =	stream.linear.gather [hbm4b:s0+s28], $0x2800, $0x38;
	[tilespmem:$0x1FC80] =	vst v63  }
0x53: {  	_ =	swait.ge [sflag:s18], $0x2800  }
0x54: {  	[sflag:s18] =	ssyncset.done $0x0  }
0x55: {  	s31 =	simm.s32 $0x0;
	[sflag:s18] =	ssyncadd.s32 $0xFFFFD800  }
0x56: {  	v9 =	vld [tilespmem:s31+$0x3800]  }
0x57: {  	v13 =	vld [tilespmem:s31+$0x3810]  }
0x58: {  	v7 =	vld [tilespmem:s31+$0x3820]  }
0x59: {  	v6 =	vld [tilespmem:s31+$0x3830]  }
0x5a: {  	v5 =	vld [tilespmem:s31+$0x3840]  }
0x5b: {  	v4 =	vld [tilespmem:s31+$0x3850]  }
0x5c: {  	v3 =	vld [tilespmem:s31+$0x3860]  }
0x5d: {  	v2 =	vld [tilespmem:s31+$0x3870]  }
0x5e: {  	v14 =	vld [tilespmem:s31+$0x1000]  }
0x5f: {  	v15 =	vld [tilespmem:s31+$0x1010]  }
0x60: {  	v12 =	vld [tilespmem:s31+$0x1020]  }
0x61: {  	v11 =	vld [tilespmem:s31+$0x1030]  }
0x62: {  	v10 =	vld [tilespmem:s31+$0x1040]  }
0x63: {  	v8 =	vld [tilespmem:s31+$0x1050];
	v14 =	vmul.f32 v9, v14  }
0x64: {  	s0 =	simm.s32 $0x200;
	v13 =	vmul.f32 v13, v15;
	v9 =	vld [tilespmem:s31+$0x1060]  }
.LBB2_10:
0x65: {  	s13 =	sshra.s32 s0, $0x2;
	p2 =	sne.s32 s0, $0x9E00;
	[tilespmem:s31+$0x1000] =	vst v14;
	v7 =	vmul.f32 v7, v12;
	v12 =	vld [tilespmem:s31+$0x1070]  }
0x66: {  	v14 =	vld [tilespmem:s13+$0x3800];
	[tilespmem:s31+$0x1010] =	vst v13;
	v6 =	vmul.f32 v6, v11  }
0x67: {  	v13 =	vld [tilespmem:s13+$0x3810];
	[tilespmem:s31+$0x1020] =	vst v7;
	v5 =	vmul.f32 v5, v10  }
0x68: {  	v7 =	vld [tilespmem:s13+$0x3820];
	[tilespmem:s31+$0x1030] =	vst v6;
	v4 =	vmul.f32 v4, v8  }
0x69: {  	v6 =	vld [tilespmem:s13+$0x3830];
	[tilespmem:s31+$0x1040] =	vst v5;
	v3 =	vmul.f32 v3, v9  }
0x6a: {  	v5 =	vld [tilespmem:s13+$0x3840];
	[tilespmem:s31+$0x1050] =	vst v4;
	v2 =	vmul.f32 v2, v12  }
0x6b: {  	v4 =	vld [tilespmem:s13+$0x3850];
	[tilespmem:s31+$0x1060] =	vst v3  }
0x6c: {  	v3 =	vld [tilespmem:s13+$0x3860];
	[tilespmem:s31+$0x1070] =	vst v2;
	s31 =	smov.u32 s13  }
0x6d: {  	v2 =	vld [tilespmem:s31+$0x3870]  }
0x6e: {  	v8 =	vld [tilespmem:s31+$0x1000]  }
0x6f: {  	v9 =	vld [tilespmem:s31+$0x1010]  }
.Ltmp3:
0x70: {  	v12 =	vld [tilespmem:s31+$0x1020];
	(pc) =	sbr.rel @p2 .LBB2_10-.Ltmp3, $4  }
0x71: {  	v11 =	vld [tilespmem:s31+$0x1030]  }
0x72: {  	v10 =	vld [tilespmem:s31+$0x1040]  }
0x73: {  	v14 =	vmul.f32 v14, v8;
	v8 =	vld [tilespmem:s31+$0x1050]  }
0x74: {  	s0 =	sadd.s32 $0x200, s0;
	v13 =	vmul.f32 v13, v9;
	v9 =	vld [tilespmem:s31+$0x1060]  }
0x75: {  	[tilespmem:s31+$0x1000] =	vst v14;
	v7 =	vmul.f32 v7, v12;
	v63 =	vld [tilespmem:s31+$0x1070]  }
0x76: {  	[tilespmem:s31+$0x1010] =	vst v13;
	v6 =	vmul.f32 v6, v11  }
0x77: {  	[tilespmem:s31+$0x1020] =	vst v7;
	v5 =	vmul.f32 v5, v10  }
0x78: {  	[tilespmem:s31+$0x1030] =	vst v6;
	v4 =	vmul.f32 v4, v8  }
0x79: {  	[tilespmem:s31+$0x1040] =	vst v5;
	v3 =	vmul.f32 v3, v9  }
0x7a: {  	s29 =	sadd.s32 $0x1, s29;
	[tilespmem:s31+$0x1050] =	vst v4;
	v2 =	vmul.f32 v2, v63  }
0x7b: {  	p2 =	sne.s32 s29, $0x19;
	[tilespmem:s31+$0x1060] =	vst v3  }
.Ltmp4:
0x7c: {  	[tilespmem:s31+$0x1070] =	vst v2;
	(pc) =	sbr.rel @p2 .LBB2_9-.Ltmp4, $4  }
0x7d: {  	[spmem:s1] =	stream.indirect.scatter.add.f32 [tilespmem:s21], [sflag:$0x2], $0x80, s30, s20, $0xb8;
	[tilespmem:$0x1FC80] =	vst v63  }
0x7e: {  	_ =	swait.ge [sflag:s18], $0x2800  }
0x7f: {  	[sflag:s18] =	ssyncset.done $0x0  }
0x80: {  	[sflag:s18] =	ssyncadd.s32 $0xFFFFD800  }
0x81: {  	s25 =	sadd.s32 $0x1, s25  }
0x82: {  	p2 =	sne.s32 s25, $0x5  }
.Ltmp5:
0x83: {  	_ = 	snop;
	(pc) =	sbr.rel @p2 .LBB2_6-.Ltmp5, $1  }
0x84: {  	_ =	sdelay $0x3  }
0x85: {  	s0 =	sshll.u32 @!p1 s2, $0x6;
	[bflag:$0x0] =	sbarrier.arrive $0xFFFF;
	s3 =	sadd.s32 $0x1, s3  }
0x86: {  	s13 =	sshrl.u32 @!p1 s10, $0x3;
	s0 =	sor.u32 @!p1 $0x1C02, s0;
	p2 =	sne.s32 s3, s12  }
0x87: {  	[hbm:s11], [sflag:s0] =	dma.local @!p1 [spmem:s13], $0x3E80  }
.Ltmp6:
0x88: {  	_ = 	snop;
	(pc) =	sbr.rel @p2 .LBB2_1-.Ltmp6, $4  }
0x89: {  	s0 =	simm.s32 @!p1 $0x2  }
0x8a: {  	_ =	swait.ge @!p1 [sflag:s0], $0x3E80  }
0x8b: {  	[sflag:s0] =	ssyncset.done @!p1 $0x0  }
0x8c: {  	[sflag:s0] =	ssyncadd.s32 @!p1 $0xFFFFC180  }
0x8d: {  	_ =	sfence.sel $0x180000  }
0x8e: {  	[bflag:$0x0] =	sbarrier.arrive $0xFFFF  }
0x8f: {  	_ =	strace $0x9000004A  }
0x90: {  	[bflag:$0x2] =	sbarrier.arrive $0xFFFF  }
0x91: {  	p0 =	sne.s32 s2, $0x0;
	s0 =	rddreg [dreg:$0x2]  }
0x92: {  	s0 =	sadd.s32 @!p0 $0x100000, s0  }
0x93: {  	[sflag:s0] =	ssyncadd.tile.s32 @!p0 $0x1;
	_ =	shalt  }
.Lfunc_end2:
_tile_overlayer_lowered:
.L_overlay_start_2:
0x94: {  	(tag) =	ssettag $0x2  }
0x95: {  	s0 =	rddreg [dreg:$0x0];
	s2 =	stileid.u32  }
0x96: {  	s1 =	rddreg [dreg:$0x1];
	p0 =	sne.s32 s2, $0x0  }
0x97: {  	s3 =	rddreg [dreg:$0x2];
	[bflag:$0x3] =	sbarrier.arrive $0xFFFF;
	s2 =	simm.s32 @!p0 $0x1C02  }
0x98: {  	[timem:s3], [sflag:s2] =	dma.local @!p0 [hbm:s0], s1  }
0x99: {  	s0 =	simm.s32 @!p0 $0x2  }
0x9a: {  	_ =	swait.ge @!p0 [sflag:s0], s1  }
0x9b: {  	s1 =	ssub.s32 @!p0 $0x0, s1;
	[sflag:s0] =	ssyncset.done @!p0 $0x0  }
0x9c: {  	[sflag:s0] =	ssyncadd.s32 @!p0 s1  }
0x9d: {  	[bflag:$0x3] =	sbarrier.arrive $0xFFFF  }
0x9e: {  	_ =	shalt  }

</sc_bundles>
